<compile_context>
chip_gen: v7x
topology: tpu7x:2x2x1
jax: 0.10.2.dev20260603
libtpu: 0.0.44.dev20260713+nightly
codegen_flags: <defaults>
</compile_context>

<pallas_src>
import functools

import jax
import jax.numpy as jnp
from jax import lax
from jax.experimental import pallas as pl
from jax.experimental.pallas import tpu as pltpu
from jax.experimental.pallas import tpu_sc as plsc

_VOCAB = 1000000
_EMBED = 64
_BATCH = 4096
_SEQ = 200

_N = _BATCH * _SEQ
_NW = 32
_ROWS_PER_W = _N // _NW
_CHUNK = 128
_NCHUNK = _ROWS_PER_W // _CHUNK
_NBUF = 6
_NLAP = _NCHUNK // _NBUF

_mesh = plsc.VectorSubcoreMesh(core_axis_name="c", subcore_axis_name="s")


@functools.partial(
    pl.kernel,
    mesh=_mesh,
    out_type=jax.ShapeDtypeStruct((_SEQ, _BATCH, 2 * _EMBED), jnp.float32),
    scratch_types=[
        pltpu.VMEM((_NCHUNK, _CHUNK), jnp.int32),
        pltpu.VMEM((_NBUF, _CHUNK, 2 * _EMBED), jnp.float32),
        pltpu.SemaphoreType.DMA,
    ],
    compiler_params=pltpu.CompilerParams(use_tc_tiling_on_sc=True),
)
def _gather_rows(idx_hbm, table_hbm, out_hbm, idx_v, rows_v, sem):
    wid = lax.axis_index("s") * 2 + lax.axis_index("c")
    base = wid * _ROWS_PER_W
    pltpu.sync_copy(idx_hbm.at[pl.ds(wid * _NCHUNK, _NCHUNK)], idx_v)

    def gather(j, b):
        pltpu.async_copy(table_hbm.at[idx_v.at[j]], rows_v.at[b], sem)

    def wait_rows(b):
        pltpu.make_async_copy(
            table_hbm.at[pl.ds(0, _CHUNK)], rows_v.at[b], sem
        ).wait()

    def store(b, j):
        r0 = base + j * _CHUNK
        s = r0 // _BATCH
        b0 = lax.rem(r0, _BATCH)
        pltpu.sync_copy(rows_v.at[b], out_hbm.at[s, pl.ds(b0, _CHUNK)])

    for b in range(_NBUF):
        gather(b, b)

    def lap(g, carry):
        for b in range(_NBUF):
            j = g * _NBUF + b
            wait_rows(b)
            store(b, j)
            gather(j + _NBUF, b)
        return carry

    lax.fori_loop(0, _NLAP - 1, lap, 0)

    for b in range(_NBUF):
        j = (_NLAP - 1) * _NBUF + b
        wait_rows(b)
        store(b, j)


_TBLK = 8192
_TGRID = (_VOCAB + _TBLK - 1) // _TBLK


def _tc_widen_body(in_ref, out_ref):
    out_ref[:, : _EMBED] = in_ref[...].T


_tc_widen = pl.pallas_call(
    _tc_widen_body,
    grid=(_TGRID,),
    in_specs=[pl.BlockSpec((_EMBED, _TBLK), lambda j: (0, j))],
    out_specs=pl.BlockSpec((_TBLK, 2 * _EMBED), lambda j: (j, 0)),
    out_shape=jax.ShapeDtypeStruct((_VOCAB, 2 * _EMBED), jnp.float32),
)


def kernel(inputs, table):
    idx = inputs.T.reshape(_N // _CHUNK, _CHUNK).astype(jnp.int32)
    table128 = _tc_widen(table.T)
    return _gather_rows(idx, table128)[:, :, :_EMBED]

# --- scband reference (transcript-rebuilt; emitter-appended) ---
"""Pipeline reference for scband-embedding-context-24558622999159 (READ-ONLY COPY).

The authoritative reference and input builder live on the scoring server;
editing this copy changes nothing except your own understanding.
"""

import jax, jax.numpy as jnp
import numpy as np

VOCAB = 1000000
EMBED = 64
BATCH = 4096
SEQ = 200

def setup_inputs(seed: int = 0) -> dict:
    key = jax.random.key(seed)
    k1, k2 = jax.random.split(key)
    inputs = jax.random.randint(k1, (BATCH, SEQ), 0, VOCAB, dtype=jnp.int64 if jax.config.jax_enable_x64 else jnp.int32)
    table = jax.random.normal(k2, (VOCAB, EMBED), dtype=jnp.float32)
    return {"inputs": inputs, "table": table}

def reference(inputs, table):
    # forward: inputs is 2D -> transpose (transpose=True), then embedding lookup.
    # token_dropout=0 and embedding_dropout=0 (and eval mode) -> dropouts are identity.
    x = inputs.T  # [SEQ, BATCH]
    emb = jnp.take(table, x, axis=0)  # [SEQ, BATCH, EMBED]
    return emb

if __name__ == "__main__":
    import jax
    _d = setup_inputs()
    print(jax.jit(kernel)(*tuple(_d.values())))

</pallas_src>

<mosaic_0001>
#map = affine_map<(d0, d1) -> (0, 0)>
#map1 = affine_map<(d0, d1) -> (0, 0, 0)>
module attributes {stable_mosaic.version = 14 : i64} {
  func.func @_gather_rows(%arg0: i32, %arg1: i32, %arg2: memref<6400x128xi32, #tpu.memory_space<hbm>>, %arg3: memref<1000000x128xf32, #tpu.memory_space<hbm>>, %arg4: memref<200x4096x128xf32, #tpu.memory_space<hbm>>, %arg5: memref<200x128xi32, #tpu.memory_space<vmem>>, %arg6: memref<6x128x128xf32, #tpu.memory_space<vmem>>, %arg7: memref<!tpu.dma_semaphore, #tpu.memory_space<semaphore_mem>>) attributes {dimension_semantics = [#tpu.dimension_semantics<core_parallel>, #tpu.dimension_semantics<subcore_parallel>], iteration_bounds = array<i64: 2, 16>, scalar_prefetch = 0 : i64, scratch_operands = 3 : i64, tpu.core_type = #tpu.core_type<sc_vector_subcore>, window_params = [{transform_indices = #map}, {transform_indices = #map}, {transform_indices = #map1}]} {
    %mul3A = arith.constant 2 : i32
    %mul3A_0 = arith.muli %arg1, %mul3A : i32
    %add3A = arith.addi %mul3A_0, %arg0 : i32
    %mul3A_1 = arith.constant 25600 : i32
    %mul3A_2 = arith.muli %add3A, %mul3A_1 : i32
    %mul3A_3 = arith.constant 200 : i32
    %mul3A_4 = arith.muli %add3A, %mul3A_3 : i32
    "tpu.region"() ({
      %run_scoped3A_335 = tpu.sem_alloc : memref<!tpu.dma_semaphore, #tpu.memory_space<semaphore_mem>>
      %dma_start3A_336 = arith.constant 0 : i32
      %dma_start3A_337 = tpu.memref_slice %arg2[%mul3A_4, %dma_start3A_336] : memref<6400x128xi32, #tpu.memory_space<hbm>> -> memref<200x128xi32, #tpu.memory_space<hbm>>
      %dma_start3A_338 = arith.constant 0 : i32
      %dma_start3A_339 = tpu.memref_slice %arg2[%mul3A_4, %dma_start3A_338] : memref<6400x128xi32, #tpu.memory_space<hbm>> -> memref<200x128xi32, #tpu.memory_space<hbm>>
      tpu.enqueue_dma source(%dma_start3A_339 : memref<200x128xi32, #tpu.memory_space<hbm>>) target(%arg5 : memref<200x128xi32, #tpu.memory_space<vmem>>) target_semaphore(%run_scoped3A_335 : memref<!tpu.dma_semaphore, #tpu.memory_space<semaphore_mem>>)
      %dma_wait3A_340 = arith.constant 0 : i32
      %dma_wait3A_341 = tpu.memref_slice %arg2[%mul3A_4, %dma_wait3A_340] : memref<6400x128xi32, #tpu.memory_space<hbm>> -> memref<200x128xi32, #tpu.memory_space<hbm>>
      %dma_wait3A_342 = arith.constant 0 : i32
      %dma_wait3A_343 = tpu.memref_slice %arg2[%mul3A_4, %dma_wait3A_342] : memref<6400x128xi32, #tpu.memory_space<hbm>> -> memref<200x128xi32, #tpu.memory_space<hbm>>
      tpu.wait_dma2 semaphore(%run_scoped3A_335 : memref<!tpu.dma_semaphore, #tpu.memory_space<semaphore_mem>>) src(%dma_wait3A_343 : memref<200x128xi32, #tpu.memory_space<hbm>>) dst(%arg5 : memref<200x128xi32, #tpu.memory_space<vmem>>)
      tpu.yield
    }) : () -> ()
    %dma_start3A = arith.constant 0 : i32
    %dma_start3A_5 = arith.constant 0 : i32
    %dma_start3A_6 = arith.constant 0 : i32
    %dma_start3A_7 = arith.constant 0 : i32
    %dma_start3A_8 = tpu.memref_slice %arg6[%dma_start3A_5, %dma_start3A_6, %dma_start3A_7] : memref<6x128x128xf32, #tpu.memory_space<vmem>> -> memref<1x128x128xf32, #tpu.memory_space<vmem>>
    %dma_start3A_9 = tpu.memref_squeeze %dma_start3A_8 : memref<1x128x128xf32, #tpu.memory_space<vmem>> -> memref<128x128xf32, #tpu.memory_space<vmem>>
    %dma_start3A_10 = arith.constant 0 : i32
    %dma_start3A_11 = tpu.memref_slice %arg5[%dma_start3A, %dma_start3A_10] : memref<200x128xi32, #tpu.memory_space<vmem>> -> memref<1x128xi32, #tpu.memory_space<vmem>>
    %dma_start3A_12 = tpu.memref_squeeze %dma_start3A_11 : memref<1x128xi32, #tpu.memory_space<vmem>> -> memref<128xi32, #tpu.memory_space<vmem>>
    %dma_start3A_13 = arith.constant 0 : i32
    %dma_start3A_14 = arith.constant 0 : i32
    %dma_start3A_15 = tpu.memref_slice %arg3[%dma_start3A_13, %dma_start3A_14] : memref<1000000x128xf32, #tpu.memory_space<hbm>> -> memref<1000000x128xf32, #tpu.memory_space<hbm>>
    tpu.enqueue_indirect_dma source(%dma_start3A_15 : memref<1000000x128xf32, #tpu.memory_space<hbm>>) target(%dma_start3A_9 : memref<128x128xf32, #tpu.memory_space<vmem>>) offsets(%dma_start3A_12 : memref<128xi32, #tpu.memory_space<vmem>>) semaphore(%arg7 : memref<!tpu.dma_semaphore, #tpu.memory_space<semaphore_mem>>)
    %dma_start3A_16 = arith.constant 1 : i32
    %dma_start3A_17 = arith.constant 1 : i32
    %dma_start3A_18 = arith.constant 0 : i32
    %dma_start3A_19 = arith.constant 0 : i32
    %dma_start3A_20 = tpu.memref_slice %arg6[%dma_start3A_17, %dma_start3A_18, %dma_start3A_19] : memref<6x128x128xf32, #tpu.memory_space<vmem>> -> memref<1x128x128xf32, #tpu.memory_space<vmem>>
    %dma_start3A_21 = tpu.memref_squeeze %dma_start3A_20 : memref<1x128x128xf32, #tpu.memory_space<vmem>> -> memref<128x128xf32, #tpu.memory_space<vmem>>
    %dma_start3A_22 = arith.constant 0 : i32
    %dma_start3A_23 = tpu.memref_slice %arg5[%dma_start3A_16, %dma_start3A_22] : memref<200x128xi32, #tpu.memory_space<vmem>> -> memref<1x128xi32, #tpu.memory_space<vmem>>
    %dma_start3A_24 = tpu.memref_squeeze %dma_start3A_23 : memref<1x128xi32, #tpu.memory_space<vmem>> -> memref<128xi32, #tpu.memory_space<vmem>>
    %dma_start3A_25 = arith.constant 0 : i32
    %dma_start3A_26 = arith.constant 0 : i32
    %dma_start3A_27 = tpu.memref_slice %arg3[%dma_start3A_25, %dma_start3A_26] : memref<1000000x128xf32, #tpu.memory_space<hbm>> -> memref<1000000x128xf32, #tpu.memory_space<hbm>>
    tpu.enqueue_indirect_dma source(%dma_start3A_27 : memref<1000000x128xf32, #tpu.memory_space<hbm>>) target(%dma_start3A_21 : memref<128x128xf32, #tpu.memory_space<vmem>>) offsets(%dma_start3A_24 : memref<128xi32, #tpu.memory_space<vmem>>) semaphore(%arg7 : memref<!tpu.dma_semaphore, #tpu.memory_space<semaphore_mem>>)
    %dma_start3A_28 = arith.constant 2 : i32
    %dma_start3A_29 = arith.constant 2 : i32
    %dma_start3A_30 = arith.constant 0 : i32
    %dma_start3A_31 = arith.constant 0 : i32
    %dma_start3A_32 = tpu.memref_slice %arg6[%dma_start3A_29, %dma_start3A_30, %dma_start3A_31] : memref<6x128x128xf32, #tpu.memory_space<vmem>> -> memref<1x128x128xf32, #tpu.memory_space<vmem>>
    %dma_start3A_33 = tpu.memref_squeeze %dma_start3A_32 : memref<1x128x128xf32, #tpu.memory_space<vmem>> -> memref<128x128xf32, #tpu.memory_space<vmem>>
    %dma_start3A_34 = arith.constant 0 : i32
    %dma_start3A_35 = tpu.memref_slice %arg5[%dma_start3A_28, %dma_start3A_34] : memref<200x128xi32, #tpu.memory_space<vmem>> -> memref<1x128xi32, #tpu.memory_space<vmem>>
    %dma_start3A_36 = tpu.memref_squeeze %dma_start3A_35 : memref<1x128xi32, #tpu.memory_space<vmem>> -> memref<128xi32, #tpu.memory_space<vmem>>
    %dma_start3A_37 = arith.constant 0 : i32
    %dma_start3A_38 = arith.constant 0 : i32
    %dma_start3A_39 = tpu.memref_slice %arg3[%dma_start3A_37, %dma_start3A_38] : memref<1000000x128xf32, #tpu.memory_space<hbm>> -> memref<1000000x128xf32, #tpu.memory_space<hbm>>
    tpu.enqueue_indirect_dma source(%dma_start3A_39 : memref<1000000x128xf32, #tpu.memory_space<hbm>>) target(%dma_start3A_33 : memref<128x128xf32, #tpu.memory_space<vmem>>) offsets(%dma_start3A_36 : memref<128xi32, #tpu.memory_space<vmem>>) semaphore(%arg7 : memref<!tpu.dma_semaphore, #tpu.memory_space<semaphore_mem>>)
    %dma_start3A_40 = arith.constant 3 : i32
    %dma_start3A_41 = arith.constant 3 : i32
    %dma_start3A_42 = arith.constant 0 : i32
    %dma_start3A_43 = arith.constant 0 : i32
    %dma_start3A_44 = tpu.memref_slice %arg6[%dma_start3A_41, %dma_start3A_42, %dma_start3A_43] : memref<6x128x128xf32, #tpu.memory_space<vmem>> -> memref<1x128x128xf32, #tpu.memory_space<vmem>>
    %dma_start3A_45 = tpu.memref_squeeze %dma_start3A_44 : memref<1x128x128xf32, #tpu.memory_space<vmem>> -> memref<128x128xf32, #tpu.memory_space<vmem>>
    %dma_start3A_46 = arith.constant 0 : i32
    %dma_start3A_47 = tpu.memref_slice %arg5[%dma_start3A_40, %dma_start3A_46] : memref<200x128xi32, #tpu.memory_space<vmem>> -> memref<1x128xi32, #tpu.memory_space<vmem>>
    %dma_start3A_48 = tpu.memref_squeeze %dma_start3A_47 : memref<1x128xi32, #tpu.memory_space<vmem>> -> memref<128xi32, #tpu.memory_space<vmem>>
    %dma_start3A_49 = arith.constant 0 : i32
    %dma_start3A_50 = arith.constant 0 : i32
    %dma_start3A_51 = tpu.memref_slice %arg3[%dma_start3A_49, %dma_start3A_50] : memref<1000000x128xf32, #tpu.memory_space<hbm>> -> memref<1000000x128xf32, #tpu.memory_space<hbm>>
    tpu.enqueue_indirect_dma source(%dma_start3A_51 : memref<1000000x128xf32, #tpu.memory_space<hbm>>) target(%dma_start3A_45 : memref<128x128xf32, #tpu.memory_space<vmem>>) offsets(%dma_start3A_48 : memref<128xi32, #tpu.memory_space<vmem>>) semaphore(%arg7 : memref<!tpu.dma_semaphore, #tpu.memory_space<semaphore_mem>>)
    %dma_start3A_52 = arith.constant 4 : i32
    %dma_start3A_53 = arith.constant 4 : i32
    %dma_start3A_54 = arith.constant 0 : i32
    %dma_start3A_55 = arith.constant 0 : i32
    %dma_start3A_56 = tpu.memref_slice %arg6[%dma_start3A_53, %dma_start3A_54, %dma_start3A_55] : memref<6x128x128xf32, #tpu.memory_space<vmem>> -> memref<1x128x128xf32, #tpu.memory_space<vmem>>
    %dma_start3A_57 = tpu.memref_squeeze %dma_start3A_56 : memref<1x128x128xf32, #tpu.memory_space<vmem>> -> memref<128x128xf32, #tpu.memory_space<vmem>>
    %dma_start3A_58 = arith.constant 0 : i32
    %dma_start3A_59 = tpu.memref_slice %arg5[%dma_start3A_52, %dma_start3A_58] : memref<200x128xi32, #tpu.memory_space<vmem>> -> memref<1x128xi32, #tpu.memory_space<vmem>>
    %dma_start3A_60 = tpu.memref_squeeze %dma_start3A_59 : memref<1x128xi32, #tpu.memory_space<vmem>> -> memref<128xi32, #tpu.memory_space<vmem>>
    %dma_start3A_61 = arith.constant 0 : i32
    %dma_start3A_62 = arith.constant 0 : i32
    %dma_start3A_63 = tpu.memref_slice %arg3[%dma_start3A_61, %dma_start3A_62] : memref<1000000x128xf32, #tpu.memory_space<hbm>> -> memref<1000000x128xf32, #tpu.memory_space<hbm>>
    tpu.enqueue_indirect_dma source(%dma_start3A_63 : memref<1000000x128xf32, #tpu.memory_space<hbm>>) target(%dma_start3A_57 : memref<128x128xf32, #tpu.memory_space<vmem>>) offsets(%dma_start3A_60 : memref<128xi32, #tpu.memory_space<vmem>>) semaphore(%arg7 : memref<!tpu.dma_semaphore, #tpu.memory_space<semaphore_mem>>)
    %dma_start3A_64 = arith.constant 5 : i32
    %dma_start3A_65 = arith.constant 5 : i32
    %dma_start3A_66 = arith.constant 0 : i32
    %dma_start3A_67 = arith.constant 0 : i32
    %dma_start3A_68 = tpu.memref_slice %arg6[%dma_start3A_65, %dma_start3A_66, %dma_start3A_67] : memref<6x128x128xf32, #tpu.memory_space<vmem>> -> memref<1x128x128xf32, #tpu.memory_space<vmem>>
    %dma_start3A_69 = tpu.memref_squeeze %dma_start3A_68 : memref<1x128x128xf32, #tpu.memory_space<vmem>> -> memref<128x128xf32, #tpu.memory_space<vmem>>
    %dma_start3A_70 = arith.constant 0 : i32
    %dma_start3A_71 = tpu.memref_slice %arg5[%dma_start3A_64, %dma_start3A_70] : memref<200x128xi32, #tpu.memory_space<vmem>> -> memref<1x128xi32, #tpu.memory_space<vmem>>
    %dma_start3A_72 = tpu.memref_squeeze %dma_start3A_71 : memref<1x128xi32, #tpu.memory_space<vmem>> -> memref<128xi32, #tpu.memory_space<vmem>>
    %dma_start3A_73 = arith.constant 0 : i32
    %dma_start3A_74 = arith.constant 0 : i32
    %dma_start3A_75 = tpu.memref_slice %arg3[%dma_start3A_73, %dma_start3A_74] : memref<1000000x128xf32, #tpu.memory_space<hbm>> -> memref<1000000x128xf32, #tpu.memory_space<hbm>>
    tpu.enqueue_indirect_dma source(%dma_start3A_75 : memref<1000000x128xf32, #tpu.memory_space<hbm>>) target(%dma_start3A_69 : memref<128x128xf32, #tpu.memory_space<vmem>>) offsets(%dma_start3A_72 : memref<128xi32, #tpu.memory_space<vmem>>) semaphore(%arg7 : memref<!tpu.dma_semaphore, #tpu.memory_space<semaphore_mem>>)
    %scan3A = arith.constant 0 : i32
    %scan3A_76 = arith.constant 0 : i32
    %scan3A_77 = arith.constant 32 : i32
    %scan3A_78 = arith.addi %scan3A_76, %scan3A_77 : i32
    %scan3A_79 = arith.constant 1 : i32
    scf.for %scan3A_335 = %scan3A_76 to %scan3A_78 step %scan3A_79  : i32 {
      %mul3A_336 = arith.constant 6 : i32
      %mul3A_337 = arith.muli %scan3A_335, %mul3A_336 : i32
      %add3A_338 = arith.constant 0 : i32
      %add3A_339 = arith.addi %mul3A_337, %add3A_338 : i32
      %dma_wait3A_340 = arith.constant 0 : i32
      %dma_wait3A_341 = arith.constant 0 : i32
      %dma_wait3A_342 = arith.constant 0 : i32
      %dma_wait3A_343 = tpu.memref_slice %arg6[%dma_wait3A_340, %dma_wait3A_341, %dma_wait3A_342] : memref<6x128x128xf32, #tpu.memory_space<vmem>> -> memref<1x128x128xf32, #tpu.memory_space<vmem>>
      %dma_wait3A_344 = tpu.memref_squeeze %dma_wait3A_343 : memref<1x128x128xf32, #tpu.memory_space<vmem>> -> memref<128x128xf32, #tpu.memory_space<vmem>>
      %dma_wait3A_345 = arith.constant 0 : i32
      %dma_wait3A_346 = arith.constant 0 : i32
      %dma_wait3A_347 = tpu.memref_slice %arg3[%dma_wait3A_345, %dma_wait3A_346] : memref<1000000x128xf32, #tpu.memory_space<hbm>> -> memref<128x128xf32, #tpu.memory_space<hbm>>
      %dma_wait3A_348 = arith.constant 0 : i32
      %dma_wait3A_349 = arith.constant 0 : i32
      %dma_wait3A_350 = tpu.memref_slice %arg6[%dma_wait3A_340, %dma_wait3A_348, %dma_wait3A_349] : memref<6x128x128xf32, #tpu.memory_space<vmem>> -> memref<1x128x128xf32, #tpu.memory_space<vmem>>
      %dma_wait3A_351 = tpu.memref_squeeze %dma_wait3A_350 : memref<1x128x128xf32, #tpu.memory_space<vmem>> -> memref<128x128xf32, #tpu.memory_space<vmem>>
      %dma_wait3A_352 = arith.constant 0 : i32
      %dma_wait3A_353 = arith.constant 0 : i32
      %dma_wait3A_354 = tpu.memref_slice %arg3[%dma_wait3A_352, %dma_wait3A_353] : memref<1000000x128xf32, #tpu.memory_space<hbm>> -> memref<128x128xf32, #tpu.memory_space<hbm>>
      tpu.wait_dma2 semaphore(%arg7 : memref<!tpu.dma_semaphore, #tpu.memory_space<semaphore_mem>>) src(%dma_wait3A_354 : memref<128x128xf32, #tpu.memory_space<hbm>>) dst(%dma_wait3A_351 : memref<128x128xf32, #tpu.memory_space<vmem>>)
      %mul3A_355 = arith.constant 128 : i32
      %mul3A_356 = arith.muli %add3A_339, %mul3A_355 : i32
      %add3A_357 = arith.addi %mul3A_2, %mul3A_356 : i32
      %jit3A_358 = arith.constant 4096 : i32
      %div3A_359 = arith.divsi %add3A_357, %jit3A_358 : i32
      %sign3A_360 = arith.constant 0 : i32
      %sign3A_361 = arith.cmpi sgt, %add3A_357, %sign3A_360 : i32
      %sign3A_362 = arith.extui %sign3A_361 : i1 to i32
      %sign3A_363 = arith.constant 0 : i32
      %sign3A_364 = arith.cmpi slt, %add3A_357, %sign3A_363 : i32
      %sign3A_365 = arith.extui %sign3A_364 : i1 to i32
      %sign3A_366 = arith.subi %sign3A_362, %sign3A_365 : i32
      %sign3A_367 = arith.constant 0 : i32
      %sign3A_368 = arith.cmpi sgt, %jit3A_358, %sign3A_367 : i32
      %sign3A_369 = arith.extui %sign3A_368 : i1 to i32
      %sign3A_370 = arith.constant 0 : i32
      %sign3A_371 = arith.cmpi slt, %jit3A_358, %sign3A_370 : i32
      %sign3A_372 = arith.extui %sign3A_371 : i1 to i32
      %sign3A_373 = arith.subi %sign3A_369, %sign3A_372 : i32
      %ne3A_374 = arith.cmpi ne, %sign3A_366, %sign3A_373 : i32
      %rem3A_375 = arith.remsi %add3A_357, %jit3A_358 : i32
      %ne3A_376 = arith.constant 0 : i32
      %ne3A_377 = arith.cmpi ne, %rem3A_375, %ne3A_376 : i32
      %and3A_378 = arith.andi %ne3A_374, %ne3A_377 : i1
      %sub3A_379 = arith.constant 1 : i32
      %sub3A_380 = arith.subi %div3A_359, %sub3A_379 : i32
      %select_n3A_381 = arith.select %and3A_378, %sub3A_380, %div3A_359 : i32
      %rem3A_382 = arith.constant 4096 : i32
      %rem3A_383 = arith.remsi %add3A_357, %rem3A_382 : i32
      %run_scoped3A_384 = arith.constant 0 : i32
      "tpu.region"() ({
        %run_scoped3A_708 = tpu.sem_alloc : memref<!tpu.dma_semaphore, #tpu.memory_space<semaphore_mem>>
        %dma_start3A_709 = arith.constant 0 : i32
        %dma_start3A_710 = arith.constant 0 : i32
        %dma_start3A_711 = tpu.memref_slice %arg6[%run_scoped3A_384, %dma_start3A_709, %dma_start3A_710] : memref<6x128x128xf32, #tpu.memory_space<vmem>> -> memref<1x128x128xf32, #tpu.memory_space<vmem>>
        %dma_start3A_712 = tpu.memref_squeeze %dma_start3A_711 : memref<1x128x128xf32, #tpu.memory_space<vmem>> -> memref<128x128xf32, #tpu.memory_space<vmem>>
        %dma_start3A_713 = arith.constant 0 : i32
        %dma_start3A_714 = tpu.memref_slice %arg4[%select_n3A_381, %rem3A_383, %dma_start3A_713] : memref<200x4096x128xf32, #tpu.memory_space<hbm>> -> memref<1x128x128xf32, #tpu.memory_space<hbm>>
        %dma_start3A_715 = tpu.memref_squeeze %dma_start3A_714 : memref<1x128x128xf32, #tpu.memory_space<hbm>> -> memref<128x128xf32, #tpu.memory_space<hbm>>
        %dma_start3A_716 = arith.constant 0 : i32
        %dma_start3A_717 = tpu.memref_slice %arg4[%select_n3A_381, %rem3A_383, %dma_start3A_716] : memref<200x4096x128xf32, #tpu.memory_space<hbm>> -> memref<1x128x128xf32, #tpu.memory_space<hbm>>
        %dma_start3A_718 = tpu.memref_squeeze %dma_start3A_717 : memref<1x128x128xf32, #tpu.memory_space<hbm>> -> memref<128x128xf32, #tpu.memory_space<hbm>>
        %dma_start3A_719 = arith.constant 0 : i32
        %dma_start3A_720 = arith.constant 0 : i32
        %dma_start3A_721 = tpu.memref_slice %arg6[%run_scoped3A_384, %dma_start3A_719, %dma_start3A_720] : memref<6x128x128xf32, #tpu.memory_space<vmem>> -> memref<1x128x128xf32, #tpu.memory_space<vmem>>
        %dma_start3A_722 = tpu.memref_squeeze %dma_start3A_721 : memref<1x128x128xf32, #tpu.memory_space<vmem>> -> memref<128x128xf32, #tpu.memory_space<vmem>>
        tpu.enqueue_dma source(%dma_start3A_722 : memref<128x128xf32, #tpu.memory_space<vmem>>) target(%dma_start3A_718 : memref<128x128xf32, #tpu.memory_space<hbm>>) target_semaphore(%run_scoped3A_708 : memref<!tpu.dma_semaphore, #tpu.memory_space<semaphore_mem>>)
        %dma_wait3A_723 = arith.constant 0 : i32
        %dma_wait3A_724 = arith.constant 0 : i32
        %dma_wait3A_725 = tpu.memref_slice %arg6[%run_scoped3A_384, %dma_wait3A_723, %dma_wait3A_724] : memref<6x128x128xf32, #tpu.memory_space<vmem>> -> memref<1x128x128xf32, #tpu.memory_space<vmem>>
        %dma_wait3A_726 = tpu.memref_squeeze %dma_wait3A_725 : memref<1x128x128xf32, #tpu.memory_space<vmem>> -> memref<128x128xf32, #tpu.memory_space<vmem>>
        %dma_wait3A_727 = arith.constant 0 : i32
        %dma_wait3A_728 = tpu.memref_slice %arg4[%select_n3A_381, %rem3A_383, %dma_wait3A_727] : memref<200x4096x128xf32, #tpu.memory_space<hbm>> -> memref<1x128x128xf32, #tpu.memory_space<hbm>>
        %dma_wait3A_729 = tpu.memref_squeeze %dma_wait3A_728 : memref<1x128x128xf32, #tpu.memory_space<hbm>> -> memref<128x128xf32, #tpu.memory_space<hbm>>
        %dma_wait3A_730 = arith.constant 0 : i32
        %dma_wait3A_731 = tpu.memref_slice %arg4[%select_n3A_381, %rem3A_383, %dma_wait3A_730] : memref<200x4096x128xf32, #tpu.memory_space<hbm>> -> memref<1x128x128xf32, #tpu.memory_space<hbm>>
        %dma_wait3A_732 = tpu.memref_squeeze %dma_wait3A_731 : memref<1x128x128xf32, #tpu.memory_space<hbm>> -> memref<128x128xf32, #tpu.memory_space<hbm>>
        %dma_wait3A_733 = arith.constant 0 : i32
        %dma_wait3A_734 = arith.constant 0 : i32
        %dma_wait3A_735 = tpu.memref_slice %arg6[%run_scoped3A_384, %dma_wait3A_733, %dma_wait3A_734] : memref<6x128x128xf32, #tpu.memory_space<vmem>> -> memref<1x128x128xf32, #tpu.memory_space<vmem>>
        %dma_wait3A_736 = tpu.memref_squeeze %dma_wait3A_735 : memref<1x128x128xf32, #tpu.memory_space<vmem>> -> memref<128x128xf32, #tpu.memory_space<vmem>>
        tpu.wait_dma2 semaphore(%run_scoped3A_708 : memref<!tpu.dma_semaphore, #tpu.memory_space<semaphore_mem>>) src(%dma_wait3A_736 : memref<128x128xf32, #tpu.memory_space<vmem>>) dst(%dma_wait3A_732 : memref<128x128xf32, #tpu.memory_space<hbm>>)
        tpu.yield
      }) : () -> ()
      %add3A_385 = arith.constant 6 : i32
      %add3A_386 = arith.addi %add3A_339, %add3A_385 : i32
      %dma_start3A_387 = arith.constant 0 : i32
      %dma_start3A_388 = arith.constant 0 : i32
      %dma_start3A_389 = arith.constant 0 : i32
      %dma_start3A_390 = tpu.memref_slice %arg6[%dma_start3A_387, %dma_start3A_388, %dma_start3A_389] : memref<6x128x128xf32, #tpu.memory_space<vmem>> -> memref<1x128x128xf32, #tpu.memory_space<vmem>>
      %dma_start3A_391 = tpu.memref_squeeze %dma_start3A_390 : memref<1x128x128xf32, #tpu.memory_space<vmem>> -> memref<128x128xf32, #tpu.memory_space<vmem>>
      %dma_start3A_392 = arith.constant 0 : i32
      %dma_start3A_393 = tpu.memref_slice %arg5[%add3A_386, %dma_start3A_392] : memref<200x128xi32, #tpu.memory_space<vmem>> -> memref<1x128xi32, #tpu.memory_space<vmem>>
      %dma_start3A_394 = tpu.memref_squeeze %dma_start3A_393 : memref<1x128xi32, #tpu.memory_space<vmem>> -> memref<128xi32, #tpu.memory_space<vmem>>
      %dma_start3A_395 = arith.constant 0 : i32
      %dma_start3A_396 = arith.constant 0 : i32
      %dma_start3A_397 = tpu.memref_slice %arg3[%dma_start3A_395, %dma_start3A_396] : memref<1000000x128xf32, #tpu.memory_space<hbm>> -> memref<1000000x128xf32, #tpu.memory_space<hbm>>
      tpu.enqueue_indirect_dma source(%dma_start3A_397 : memref<1000000x128xf32, #tpu.memory_space<hbm>>) target(%dma_start3A_391 : memref<128x128xf32, #tpu.memory_space<vmem>>) offsets(%dma_start3A_394 : memref<128xi32, #tpu.memory_space<vmem>>) semaphore(%arg7 : memref<!tpu.dma_semaphore, #tpu.memory_space<semaphore_mem>>)
      %mul3A_398 = arith.constant 6 : i32
      %mul3A_399 = arith.muli %scan3A_335, %mul3A_398 : i32
      %add3A_400 = arith.constant 1 : i32
      %add3A_401 = arith.addi %mul3A_399, %add3A_400 : i32
      %dma_wait3A_402 = arith.constant 1 : i32
      %dma_wait3A_403 = arith.constant 0 : i32
      %dma_wait3A_404 = arith.constant 0 : i32
      %dma_wait3A_405 = tpu.memref_slice %arg6[%dma_wait3A_402, %dma_wait3A_403, %dma_wait3A_404] : memref<6x128x128xf32, #tpu.memory_space<vmem>> -> memref<1x128x128xf32, #tpu.memory_space<vmem>>
      %dma_wait3A_406 = tpu.memref_squeeze %dma_wait3A_405 : memref<1x128x128xf32, #tpu.memory_space<vmem>> -> memref<128x128xf32, #tpu.memory_space<vmem>>
      %dma_wait3A_407 = arith.constant 0 : i32
      %dma_wait3A_408 = arith.constant 0 : i32
      %dma_wait3A_409 = tpu.memref_slice %arg3[%dma_wait3A_407, %dma_wait3A_408] : memref<1000000x128xf32, #tpu.memory_space<hbm>> -> memref<128x128xf32, #tpu.memory_space<hbm>>
      %dma_wait3A_410 = arith.constant 0 : i32
      %dma_wait3A_411 = arith.constant 0 : i32
      %dma_wait3A_412 = tpu.memref_slice %arg6[%dma_wait3A_402, %dma_wait3A_410, %dma_wait3A_411] : memref<6x128x128xf32, #tpu.memory_space<vmem>> -> memref<1x128x128xf32, #tpu.memory_space<vmem>>
      %dma_wait3A_413 = tpu.memref_squeeze %dma_wait3A_412 : memref<1x128x128xf32, #tpu.memory_space<vmem>> -> memref<128x128xf32, #tpu.memory_space<vmem>>
      %dma_wait3A_414 = arith.constant 0 : i32
      %dma_wait3A_415 = arith.constant 0 : i32
      %dma_wait3A_416 = tpu.memref_slice %arg3[%dma_wait3A_414, %dma_wait3A_415] : memref<1000000x128xf32, #tpu.memory_space<hbm>> -> memref<128x128xf32, #tpu.memory_space<hbm>>
      tpu.wait_dma2 semaphore(%arg7 : memref<!tpu.dma_semaphore, #tpu.memory_space<semaphore_mem>>) src(%dma_wait3A_416 : memref<128x128xf32, #tpu.memory_space<hbm>>) dst(%dma_wait3A_413 : memref<128x128xf32, #tpu.memory_space<vmem>>)
      %mul3A_417 = arith.constant 128 : i32
      %mul3A_418 = arith.muli %add3A_401, %mul3A_417 : i32
      %add3A_419 = arith.addi %mul3A_2, %mul3A_418 : i32
      %jit3A_420 = arith.constant 4096 : i32
      %div3A_421 = arith.divsi %add3A_419, %jit3A_420 : i32
      %sign3A_422 = arith.constant 0 : i32
      %sign3A_423 = arith.cmpi sgt, %add3A_419, %sign3A_422 : i32
      %sign3A_424 = arith.extui %sign3A_423 : i1 to i32
      %sign3A_425 = arith.constant 0 : i32
      %sign3A_426 = arith.cmpi slt, %add3A_419, %sign3A_425 : i32
      %sign3A_427 = arith.extui %sign3A_426 : i1 to i32
      %sign3A_428 = arith.subi %sign3A_424, %sign3A_427 : i32
      %sign3A_429 = arith.constant 0 : i32
      %sign3A_430 = arith.cmpi sgt, %jit3A_420, %sign3A_429 : i32
      %sign3A_431 = arith.extui %sign3A_430 : i1 to i32
      %sign3A_432 = arith.constant 0 : i32
      %sign3A_433 = arith.cmpi slt, %jit3A_420, %sign3A_432 : i32
      %sign3A_434 = arith.extui %sign3A_433 : i1 to i32
      %sign3A_435 = arith.subi %sign3A_431, %sign3A_434 : i32
      %ne3A_436 = arith.cmpi ne, %sign3A_428, %sign3A_435 : i32
      %rem3A_437 = arith.remsi %add3A_419, %jit3A_420 : i32
      %ne3A_438 = arith.constant 0 : i32
      %ne3A_439 = arith.cmpi ne, %rem3A_437, %ne3A_438 : i32
      %and3A_440 = arith.andi %ne3A_436, %ne3A_439 : i1
      %sub3A_441 = arith.constant 1 : i32
      %sub3A_442 = arith.subi %div3A_421, %sub3A_441 : i32
      %select_n3A_443 = arith.select %and3A_440, %sub3A_442, %div3A_421 : i32
      %rem3A_444 = arith.constant 4096 : i32
      %rem3A_445 = arith.remsi %add3A_419, %rem3A_444 : i32
      %run_scoped3A_446 = arith.constant 1 : i32
      "tpu.region"() ({
        %run_scoped3A_708 = tpu.sem_alloc : memref<!tpu.dma_semaphore, #tpu.memory_space<semaphore_mem>>
        %dma_start3A_709 = arith.constant 0 : i32
        %dma_start3A_710 = arith.constant 0 : i32
        %dma_start3A_711 = tpu.memref_slice %arg6[%run_scoped3A_446, %dma_start3A_709, %dma_start3A_710] : memref<6x128x128xf32, #tpu.memory_space<vmem>> -> memref<1x128x128xf32, #tpu.memory_space<vmem>>
        %dma_start3A_712 = tpu.memref_squeeze %dma_start3A_711 : memref<1x128x128xf32, #tpu.memory_space<vmem>> -> memref<128x128xf32, #tpu.memory_space<vmem>>
        %dma_start3A_713 = arith.constant 0 : i32
        %dma_start3A_714 = tpu.memref_slice %arg4[%select_n3A_443, %rem3A_445, %dma_start3A_713] : memref<200x4096x128xf32, #tpu.memory_space<hbm>> -> memref<1x128x128xf32, #tpu.memory_space<hbm>>
        %dma_start3A_715 = tpu.memref_squeeze %dma_start3A_714 : memref<1x128x128xf32, #tpu.memory_space<hbm>> -> memref<128x128xf32, #tpu.memory_space<hbm>>
        %dma_start3A_716 = arith.constant 0 : i32
        %dma_start3A_717 = tpu.memref_slice %arg4[%select_n3A_443, %rem3A_445, %dma_start3A_716] : memref<200x4096x128xf32, #tpu.memory_space<hbm>> -> memref<1x128x128xf32, #tpu.memory_space<hbm>>
        %dma_start3A_718 = tpu.memref_squeeze %dma_start3A_717 : memref<1x128x128xf32, #tpu.memory_space<hbm>> -> memref<128x128xf32, #tpu.memory_space<hbm>>
        %dma_start3A_719 = arith.constant 0 : i32
        %dma_start3A_720 = arith.constant 0 : i32
        %dma_start3A_721 = tpu.memref_slice %arg6[%run_scoped3A_446, %dma_start3A_719, %dma_start3A_720] : memref<6x128x128xf32, #tpu.memory_space<vmem>> -> memref<1x128x128xf32, #tpu.memory_space<vmem>>
        %dma_start3A_722 = tpu.memref_squeeze %dma_start3A_721 : memref<1x128x128xf32, #tpu.memory_space<vmem>> -> memref<128x128xf32, #tpu.memory_space<vmem>>
        tpu.enqueue_dma source(%dma_start3A_722 : memref<128x128xf32, #tpu.memory_space<vmem>>) target(%dma_start3A_718 : memref<128x128xf32, #tpu.memory_space<hbm>>) target_semaphore(%run_scoped3A_708 : memref<!tpu.dma_semaphore, #tpu.memory_space<semaphore_mem>>)
        %dma_wait3A_723 = arith.constant 0 : i32
        %dma_wait3A_724 = arith.constant 0 : i32
        %dma_wait3A_725 = tpu.memref_slice %arg6[%run_scoped3A_446, %dma_wait3A_723, %dma_wait3A_724] : memref<6x128x128xf32, #tpu.memory_space<vmem>> -> memref<1x128x128xf32, #tpu.memory_space<vmem>>
        %dma_wait3A_726 = tpu.memref_squeeze %dma_wait3A_725 : memref<1x128x128xf32, #tpu.memory_space<vmem>> -> memref<128x128xf32, #tpu.memory_space<vmem>>
        %dma_wait3A_727 = arith.constant 0 : i32
        %dma_wait3A_728 = tpu.memref_slice %arg4[%select_n3A_443, %rem3A_445, %dma_wait3A_727] : memref<200x4096x128xf32, #tpu.memory_space<hbm>> -> memref<1x128x128xf32, #tpu.memory_space<hbm>>
        %dma_wait3A_729 = tpu.memref_squeeze %dma_wait3A_728 : memref<1x128x128xf32, #tpu.memory_space<hbm>> -> memref<128x128xf32, #tpu.memory_space<hbm>>
        %dma_wait3A_730 = arith.constant 0 : i32
        %dma_wait3A_731 = tpu.memref_slice %arg4[%select_n3A_443, %rem3A_445, %dma_wait3A_730] : memref<200x4096x128xf32, #tpu.memory_space<hbm>> -> memref<1x128x128xf32, #tpu.memory_space<hbm>>
        %dma_wait3A_732 = tpu.memref_squeeze %dma_wait3A_731 : memref<1x128x128xf32, #tpu.memory_space<hbm>> -> memref<128x128xf32, #tpu.memory_space<hbm>>
        %dma_wait3A_733 = arith.constant 0 : i32
        %dma_wait3A_734 = arith.constant 0 : i32
        %dma_wait3A_735 = tpu.memref_slice %arg6[%run_scoped3A_446, %dma_wait3A_733, %dma_wait3A_734] : memref<6x128x128xf32, #tpu.memory_space<vmem>> -> memref<1x128x128xf32, #tpu.memory_space<vmem>>
        %dma_wait3A_736 = tpu.memref_squeeze %dma_wait3A_735 : memref<1x128x128xf32, #tpu.memory_space<vmem>> -> memref<128x128xf32, #tpu.memory_space<vmem>>
        tpu.wait_dma2 semaphore(%run_scoped3A_708 : memref<!tpu.dma_semaphore, #tpu.memory_space<semaphore_mem>>) src(%dma_wait3A_736 : memref<128x128xf32, #tpu.memory_space<vmem>>) dst(%dma_wait3A_732 : memref<128x128xf32, #tpu.memory_space<hbm>>)
        tpu.yield
      }) : () -> ()
      %add3A_447 = arith.constant 6 : i32
      %add3A_448 = arith.addi %add3A_401, %add3A_447 : i32
      %dma_start3A_449 = arith.constant 1 : i32
      %dma_start3A_450 = arith.constant 0 : i32
      %dma_start3A_451 = arith.constant 0 : i32
      %dma_start3A_452 = tpu.memref_slice %arg6[%dma_start3A_449, %dma_start3A_450, %dma_start3A_451] : memref<6x128x128xf32, #tpu.memory_space<vmem>> -> memref<1x128x128xf32, #tpu.memory_space<vmem>>
      %dma_start3A_453 = tpu.memref_squeeze %dma_start3A_452 : memref<1x128x128xf32, #tpu.memory_space<vmem>> -> memref<128x128xf32, #tpu.memory_space<vmem>>
      %dma_start3A_454 = arith.constant 0 : i32
      %dma_start3A_455 = tpu.memref_slice %arg5[%add3A_448, %dma_start3A_454] : memref<200x128xi32, #tpu.memory_space<vmem>> -> memref<1x128xi32, #tpu.memory_space<vmem>>
      %dma_start3A_456 = tpu.memref_squeeze %dma_start3A_455 : memref<1x128xi32, #tpu.memory_space<vmem>> -> memref<128xi32, #tpu.memory_space<vmem>>
      %dma_start3A_457 = arith.constant 0 : i32
      %dma_start3A_458 = arith.constant 0 : i32
      %dma_start3A_459 = tpu.memref_slice %arg3[%dma_start3A_457, %dma_start3A_458] : memref<1000000x128xf32, #tpu.memory_space<hbm>> -> memref<1000000x128xf32, #tpu.memory_space<hbm>>
      tpu.enqueue_indirect_dma source(%dma_start3A_459 : memref<1000000x128xf32, #tpu.memory_space<hbm>>) target(%dma_start3A_453 : memref<128x128xf32, #tpu.memory_space<vmem>>) offsets(%dma_start3A_456 : memref<128xi32, #tpu.memory_space<vmem>>) semaphore(%arg7 : memref<!tpu.dma_semaphore, #tpu.memory_space<semaphore_mem>>)
      %mul3A_460 = arith.constant 6 : i32
      %mul3A_461 = arith.muli %scan3A_335, %mul3A_460 : i32
      %add3A_462 = arith.constant 2 : i32
      %add3A_463 = arith.addi %mul3A_461, %add3A_462 : i32
      %dma_wait3A_464 = arith.constant 2 : i32
      %dma_wait3A_465 = arith.constant 0 : i32
      %dma_wait3A_466 = arith.constant 0 : i32
      %dma_wait3A_467 = tpu.memref_slice %arg6[%dma_wait3A_464, %dma_wait3A_465, %dma_wait3A_466] : memref<6x128x128xf32, #tpu.memory_space<vmem>> -> memref<1x128x128xf32, #tpu.memory_space<vmem>>
      %dma_wait3A_468 = tpu.memref_squeeze %dma_wait3A_467 : memref<1x128x128xf32, #tpu.memory_space<vmem>> -> memref<128x128xf32, #tpu.memory_space<vmem>>
      %dma_wait3A_469 = arith.constant 0 : i32
      %dma_wait3A_470 = arith.constant 0 : i32
      %dma_wait3A_471 = tpu.memref_slice %arg3[%dma_wait3A_469, %dma_wait3A_470] : memref<1000000x128xf32, #tpu.memory_space<hbm>> -> memref<128x128xf32, #tpu.memory_space<hbm>>
      %dma_wait3A_472 = arith.constant 0 : i32
      %dma_wait3A_473 = arith.constant 0 : i32
      %dma_wait3A_474 = tpu.memref_slice %arg6[%dma_wait3A_464, %dma_wait3A_472, %dma_wait3A_473] : memref<6x128x128xf32, #tpu.memory_space<vmem>> -> memref<1x128x128xf32, #tpu.memory_space<vmem>>
      %dma_wait3A_475 = tpu.memref_squeeze %dma_wait3A_474 : memref<1x128x128xf32, #tpu.memory_space<vmem>> -> memref<128x128xf32, #tpu.memory_space<vmem>>
      %dma_wait3A_476 = arith.constant 0 : i32
      %dma_wait3A_477 = arith.constant 0 : i32
      %dma_wait3A_478 = tpu.memref_slice %arg3[%dma_wait3A_476, %dma_wait3A_477] : memref<1000000x128xf32, #tpu.memory_space<hbm>> -> memref<128x128xf32, #tpu.memory_space<hbm>>
      tpu.wait_dma2 semaphore(%arg7 : memref<!tpu.dma_semaphore, #tpu.memory_space<semaphore_mem>>) src(%dma_wait3A_478 : memref<128x128xf32, #tpu.memory_space<hbm>>) dst(%dma_wait3A_475 : memref<128x128xf32, #tpu.memory_space<vmem>>)
      %mul3A_479 = arith.constant 128 : i32
      %mul3A_480 = arith.muli %add3A_463, %mul3A_479 : i32
      %add3A_481 = arith.addi %mul3A_2, %mul3A_480 : i32
      %jit3A_482 = arith.constant 4096 : i32
      %div3A_483 = arith.divsi %add3A_481, %jit3A_482 : i32
      %sign3A_484 = arith.constant 0 : i32
      %sign3A_485 = arith.cmpi sgt, %add3A_481, %sign3A_484 : i32
      %sign3A_486 = arith.extui %sign3A_485 : i1 to i32
      %sign3A_487 = arith.constant 0 : i32
      %sign3A_488 = arith.cmpi slt, %add3A_481, %sign3A_487 : i32
      %sign3A_489 = arith.extui %sign3A_488 : i1 to i32
      %sign3A_490 = arith.subi %sign3A_486, %sign3A_489 : i32
      %sign3A_491 = arith.constant 0 : i32
      %sign3A_492 = arith.cmpi sgt, %jit3A_482, %sign3A_491 : i32
      %sign3A_493 = arith.extui %sign3A_492 : i1 to i32
      %sign3A_494 = arith.constant 0 : i32
      %sign3A_495 = arith.cmpi slt, %jit3A_482, %sign3A_494 : i32
      %sign3A_496 = arith.extui %sign3A_495 : i1 to i32
      %sign3A_497 = arith.subi %sign3A_493, %sign3A_496 : i32
      %ne3A_498 = arith.cmpi ne, %sign3A_490, %sign3A_497 : i32
      %rem3A_499 = arith.remsi %add3A_481, %jit3A_482 : i32
      %ne3A_500 = arith.constant 0 : i32
      %ne3A_501 = arith.cmpi ne, %rem3A_499, %ne3A_500 : i32
      %and3A_502 = arith.andi %ne3A_498, %ne3A_501 : i1
      %sub3A_503 = arith.constant 1 : i32
      %sub3A_504 = arith.subi %div3A_483, %sub3A_503 : i32
      %select_n3A_505 = arith.select %and3A_502, %sub3A_504, %div3A_483 : i32
      %rem3A_506 = arith.constant 4096 : i32
      %rem3A_507 = arith.remsi %add3A_481, %rem3A_506 : i32
      %run_scoped3A_508 = arith.constant 2 : i32
      "tpu.region"() ({
        %run_scoped3A_708 = tpu.sem_alloc : memref<!tpu.dma_semaphore, #tpu.memory_space<semaphore_mem>>
        %dma_start3A_709 = arith.constant 0 : i32
        %dma_start3A_710 = arith.constant 0 : i32
        %dma_start3A_711 = tpu.memref_slice %arg6[%run_scoped3A_508, %dma_start3A_709, %dma_start3A_710] : memref<6x128x128xf32, #tpu.memory_space<vmem>> -> memref<1x128x128xf32, #tpu.memory_space<vmem>>
        %dma_start3A_712 = tpu.memref_squeeze %dma_start3A_711 : memref<1x128x128xf32, #tpu.memory_space<vmem>> -> memref<128x128xf32, #tpu.memory_space<vmem>>
        %dma_start3A_713 = arith.constant 0 : i32
        %dma_start3A_714 = tpu.memref_slice %arg4[%select_n3A_505, %rem3A_507, %dma_start3A_713] : memref<200x4096x128xf32, #tpu.memory_space<hbm>> -> memref<1x128x128xf32, #tpu.memory_space<hbm>>
        %dma_start3A_715 = tpu.memref_squeeze %dma_start3A_714 : memref<1x128x128xf32, #tpu.memory_space<hbm>> -> memref<128x128xf32, #tpu.memory_space<hbm>>
        %dma_start3A_716 = arith.constant 0 : i32
        %dma_start3A_717 = tpu.memref_slice %arg4[%select_n3A_505, %rem3A_507, %dma_start3A_716] : memref<200x4096x128xf32, #tpu.memory_space<hbm>> -> memref<1x128x128xf32, #tpu.memory_space<hbm>>
        %dma_start3A_718 = tpu.memref_squeeze %dma_start3A_717 : memref<1x128x128xf32, #tpu.memory_space<hbm>> -> memref<128x128xf32, #tpu.memory_space<hbm>>
        %dma_start3A_719 = arith.constant 0 : i32
        %dma_start3A_720 = arith.constant 0 : i32
        %dma_start3A_721 = tpu.memref_slice %arg6[%run_scoped3A_508, %dma_start3A_719, %dma_start3A_720] : memref<6x128x128xf32, #tpu.memory_space<vmem>> -> memref<1x128x128xf32, #tpu.memory_space<vmem>>
        %dma_start3A_722 = tpu.memref_squeeze %dma_start3A_721 : memref<1x128x128xf32, #tpu.memory_space<vmem>> -> memref<128x128xf32, #tpu.memory_space<vmem>>
        tpu.enqueue_dma source(%dma_start3A_722 : memref<128x128xf32, #tpu.memory_space<vmem>>) target(%dma_start3A_718 : memref<128x128xf32, #tpu.memory_space<hbm>>) target_semaphore(%run_scoped3A_708 : memref<!tpu.dma_semaphore, #tpu.memory_space<semaphore_mem>>)
        %dma_wait3A_723 = arith.constant 0 : i32
        %dma_wait3A_724 = arith.constant 0 : i32
        %dma_wait3A_725 = tpu.memref_slice %arg6[%run_scoped3A_508, %dma_wait3A_723, %dma_wait3A_724] : memref<6x128x128xf32, #tpu.memory_space<vmem>> -> memref<1x128x128xf32, #tpu.memory_space<vmem>>
        %dma_wait3A_726 = tpu.memref_squeeze %dma_wait3A_725 : memref<1x128x128xf32, #tpu.memory_space<vmem>> -> memref<128x128xf32, #tpu.memory_space<vmem>>
        %dma_wait3A_727 = arith.constant 0 : i32
        %dma_wait3A_728 = tpu.memref_slice %arg4[%select_n3A_505, %rem3A_507, %dma_wait3A_727] : memref<200x4096x128xf32, #tpu.memory_space<hbm>> -> memref<1x128x128xf32, #tpu.memory_space<hbm>>
        %dma_wait3A_729 = tpu.memref_squeeze %dma_wait3A_728 : memref<1x128x128xf32, #tpu.memory_space<hbm>> -> memref<128x128xf32, #tpu.memory_space<hbm>>
        %dma_wait3A_730 = arith.constant 0 : i32
        %dma_wait3A_731 = tpu.memref_slice %arg4[%select_n3A_505, %rem3A_507, %dma_wait3A_730] : memref<200x4096x128xf32, #tpu.memory_space<hbm>> -> memref<1x128x128xf32, #tpu.memory_space<hbm>>
        %dma_wait3A_732 = tpu.memref_squeeze %dma_wait3A_731 : memref<1x128x128xf32, #tpu.memory_space<hbm>> -> memref<128x128xf32, #tpu.memory_space<hbm>>
        %dma_wait3A_733 = arith.constant 0 : i32
        %dma_wait3A_734 = arith.constant 0 : i32
        %dma_wait3A_735 = tpu.memref_slice %arg6[%run_scoped3A_508, %dma_wait3A_733, %dma_wait3A_734] : memref<6x128x128xf32, #tpu.memory_space<vmem>> -> memref<1x128x128xf32, #tpu.memory_space<vmem>>
        %dma_wait3A_736 = tpu.memref_squeeze %dma_wait3A_735 : memref<1x128x128xf32, #tpu.memory_space<vmem>> -> memref<128x128xf32, #tpu.memory_space<vmem>>
        tpu.wait_dma2 semaphore(%run_scoped3A_708 : memref<!tpu.dma_semaphore, #tpu.memory_space<semaphore_mem>>) src(%dma_wait3A_736 : memref<128x128xf32, #tpu.memory_space<vmem>>) dst(%dma_wait3A_732 : memref<128x128xf32, #tpu.memory_space<hbm>>)
        tpu.yield
      }) : () -> ()
      %add3A_509 = arith.constant 6 : i32
      %add3A_510 = arith.addi %add3A_463, %add3A_509 : i32
      %dma_start3A_511 = arith.constant 2 : i32
      %dma_start3A_512 = arith.constant 0 : i32
      %dma_start3A_513 = arith.constant 0 : i32
      %dma_start3A_514 = tpu.memref_slice %arg6[%dma_start3A_511, %dma_start3A_512, %dma_start3A_513] : memref<6x128x128xf32, #tpu.memory_space<vmem>> -> memref<1x128x128xf32, #tpu.memory_space<vmem>>
      %dma_start3A_515 = tpu.memref_squeeze %dma_start3A_514 : memref<1x128x128xf32, #tpu.memory_space<vmem>> -> memref<128x128xf32, #tpu.memory_space<vmem>>
      %dma_start3A_516 = arith.constant 0 : i32
      %dma_start3A_517 = tpu.memref_slice %arg5[%add3A_510, %dma_start3A_516] : memref<200x128xi32, #tpu.memory_space<vmem>> -> memref<1x128xi32, #tpu.memory_space<vmem>>
      %dma_start3A_518 = tpu.memref_squeeze %dma_start3A_517 : memref<1x128xi32, #tpu.memory_space<vmem>> -> memref<128xi32, #tpu.memory_space<vmem>>
      %dma_start3A_519 = arith.constant 0 : i32
      %dma_start3A_520 = arith.constant 0 : i32
      %dma_start3A_521 = tpu.memref_slice %arg3[%dma_start3A_519, %dma_start3A_520] : memref<1000000x128xf32, #tpu.memory_space<hbm>> -> memref<1000000x128xf32, #tpu.memory_space<hbm>>
      tpu.enqueue_indirect_dma source(%dma_start3A_521 : memref<1000000x128xf32, #tpu.memory_space<hbm>>) target(%dma_start3A_515 : memref<128x128xf32, #tpu.memory_space<vmem>>) offsets(%dma_start3A_518 : memref<128xi32, #tpu.memory_space<vmem>>) semaphore(%arg7 : memref<!tpu.dma_semaphore, #tpu.memory_space<semaphore_mem>>)
      %mul3A_522 = arith.constant 6 : i32
      %mul3A_523 = arith.muli %scan3A_335, %mul3A_522 : i32
      %add3A_524 = arith.constant 3 : i32
      %add3A_525 = arith.addi %mul3A_523, %add3A_524 : i32
      %dma_wait3A_526 = arith.constant 3 : i32
      %dma_wait3A_527 = arith.constant 0 : i32
      %dma_wait3A_528 = arith.constant 0 : i32
      %dma_wait3A_529 = tpu.memref_slice %arg6[%dma_wait3A_526, %dma_wait3A_527, %dma_wait3A_528] : memref<6x128x128xf32, #tpu.memory_space<vmem>> -> memref<1x128x128xf32, #tpu.memory_space<vmem>>
      %dma_wait3A_530 = tpu.memref_squeeze %dma_wait3A_529 : memref<1x128x128xf32, #tpu.memory_space<vmem>> -> memref<128x128xf32, #tpu.memory_space<vmem>>
      %dma_wait3A_531 = arith.constant 0 : i32
      %dma_wait3A_532 = arith.constant 0 : i32
      %dma_wait3A_533 = tpu.memref_slice %arg3[%dma_wait3A_531, %dma_wait3A_532] : memref<1000000x128xf32, #tpu.memory_space<hbm>> -> memref<128x128xf32, #tpu.memory_space<hbm>>
      %dma_wait3A_534 = arith.constant 0 : i32
      %dma_wait3A_535 = arith.constant 0 : i32
      %dma_wait3A_536 = tpu.memref_slice %arg6[%dma_wait3A_526, %dma_wait3A_534, %dma_wait3A_535] : memref<6x128x128xf32, #tpu.memory_space<vmem>> -> memref<1x128x128xf32, #tpu.memory_space<vmem>>
      %dma_wait3A_537 = tpu.memref_squeeze %dma_wait3A_536 : memref<1x128x128xf32, #tpu.memory_space<vmem>> -> memref<128x128xf32, #tpu.memory_space<vmem>>
      %dma_wait3A_538 = arith.constant 0 : i32
      %dma_wait3A_539 = arith.constant 0 : i32
      %dma_wait3A_540 = tpu.memref_slice %arg3[%dma_wait3A_538, %dma_wait3A_539] : memref<1000000x128xf32, #tpu.memory_space<hbm>> -> memref<128x128xf32, #tpu.memory_space<hbm>>
      tpu.wait_dma2 semaphore(%arg7 : memref<!tpu.dma_semaphore, #tpu.memory_space<semaphore_mem>>) src(%dma_wait3A_540 : memref<128x128xf32, #tpu.memory_space<hbm>>) dst(%dma_wait3A_537 : memref<128x128xf32, #tpu.memory_space<vmem>>)
      %mul3A_541 = arith.constant 128 : i32
      %mul3A_542 = arith.muli %add3A_525, %mul3A_541 : i32
      %add3A_543 = arith.addi %mul3A_2, %mul3A_542 : i32
      %jit3A_544 = arith.constant 4096 : i32
      %div3A_545 = arith.divsi %add3A_543, %jit3A_544 : i32
      %sign3A_546 = arith.constant 0 : i32
      %sign3A_547 = arith.cmpi sgt, %add3A_543, %sign3A_546 : i32
      %sign3A_548 = arith.extui %sign3A_547 : i1 to i32
      %sign3A_549 = arith.constant 0 : i32
      %sign3A_550 = arith.cmpi slt, %add3A_543, %sign3A_549 : i32
      %sign3A_551 = arith.extui %sign3A_550 : i1 to i32
      %sign3A_552 = arith.subi %sign3A_548, %sign3A_551 : i32
      %sign3A_553 = arith.constant 0 : i32
      %sign3A_554 = arith.cmpi sgt, %jit3A_544, %sign3A_553 : i32
      %sign3A_555 = arith.extui %sign3A_554 : i1 to i32
      %sign3A_556 = arith.constant 0 : i32
      %sign3A_557 = arith.cmpi slt, %jit3A_544, %sign3A_556 : i32
      %sign3A_558 = arith.extui %sign3A_557 : i1 to i32
      %sign3A_559 = arith.subi %sign3A_555, %sign3A_558 : i32
      %ne3A_560 = arith.cmpi ne, %sign3A_552, %sign3A_559 : i32
      %rem3A_561 = arith.remsi %add3A_543, %jit3A_544 : i32
      %ne3A_562 = arith.constant 0 : i32
      %ne3A_563 = arith.cmpi ne, %rem3A_561, %ne3A_562 : i32
      %and3A_564 = arith.andi %ne3A_560, %ne3A_563 : i1
      %sub3A_565 = arith.constant 1 : i32
      %sub3A_566 = arith.subi %div3A_545, %sub3A_565 : i32
      %select_n3A_567 = arith.select %and3A_564, %sub3A_566, %div3A_545 : i32
      %rem3A_568 = arith.constant 4096 : i32
      %rem3A_569 = arith.remsi %add3A_543, %rem3A_568 : i32
      %run_scoped3A_570 = arith.constant 3 : i32
      "tpu.region"() ({
        %run_scoped3A_708 = tpu.sem_alloc : memref<!tpu.dma_semaphore, #tpu.memory_space<semaphore_mem>>
        %dma_start3A_709 = arith.constant 0 : i32
        %dma_start3A_710 = arith.constant 0 : i32
        %dma_start3A_711 = tpu.memref_slice %arg6[%run_scoped3A_570, %dma_start3A_709, %dma_start3A_710] : memref<6x128x128xf32, #tpu.memory_space<vmem>> -> memref<1x128x128xf32, #tpu.memory_space<vmem>>
        %dma_start3A_712 = tpu.memref_squeeze %dma_start3A_711 : memref<1x128x128xf32, #tpu.memory_space<vmem>> -> memref<128x128xf32, #tpu.memory_space<vmem>>
        %dma_start3A_713 = arith.constant 0 : i32
        %dma_start3A_714 = tpu.memref_slice %arg4[%select_n3A_567, %rem3A_569, %dma_start3A_713] : memref<200x4096x128xf32, #tpu.memory_space<hbm>> -> memref<1x128x128xf32, #tpu.memory_space<hbm>>
        %dma_start3A_715 = tpu.memref_squeeze %dma_start3A_714 : memref<1x128x128xf32, #tpu.memory_space<hbm>> -> memref<128x128xf32, #tpu.memory_space<hbm>>
        %dma_start3A_716 = arith.constant 0 : i32
        %dma_start3A_717 = tpu.memref_slice %arg4[%select_n3A_567, %rem3A_569, %dma_start3A_716] : memref<200x4096x128xf32, #tpu.memory_space<hbm>> -> memref<1x128x128xf32, #tpu.memory_space<hbm>>
        %dma_start3A_718 = tpu.memref_squeeze %dma_start3A_717 : memref<1x128x128xf32, #tpu.memory_space<hbm>> -> memref<128x128xf32, #tpu.memory_space<hbm>>
        %dma_start3A_719 = arith.constant 0 : i32
        %dma_start3A_720 = arith.constant 0 : i32
        %dma_start3A_721 = tpu.memref_slice %arg6[%run_scoped3A_570, %dma_start3A_719, %dma_start3A_720] : memref<6x128x128xf32, #tpu.memory_space<vmem>> -> memref<1x128x128xf32, #tpu.memory_space<vmem>>
        %dma_start3A_722 = tpu.memref_squeeze %dma_start3A_721 : memref<1x128x128xf32, #tpu.memory_space<vmem>> -> memref<128x128xf32, #tpu.memory_space<vmem>>
        tpu.enqueue_dma source(%dma_start3A_722 : memref<128x128xf32, #tpu.memory_space<vmem>>) target(%dma_start3A_718 : memref<128x128xf32, #tpu.memory_space<hbm>>) target_semaphore(%run_scoped3A_708 : memref<!tpu.dma_semaphore, #tpu.memory_space<semaphore_mem>>)
        %dma_wait3A_723 = arith.constant 0 : i32
        %dma_wait3A_724 = arith.constant 0 : i32
        %dma_wait3A_725 = tpu.memref_slice %arg6[%run_scoped3A_570, %dma_wait3A_723, %dma_wait3A_724] : memref<6x128x128xf32, #tpu.memory_space<vmem>> -> memref<1x128x128xf32, #tpu.memory_space<vmem>>
        %dma_wait3A_726 = tpu.memref_squeeze %dma_wait3A_725 : memref<1x128x128xf32, #tpu.memory_space<vmem>> -> memref<128x128xf32, #tpu.memory_space<vmem>>
        %dma_wait3A_727 = arith.constant 0 : i32
        %dma_wait3A_728 = tpu.memref_slice %arg4[%select_n3A_567, %rem3A_569, %dma_wait3A_727] : memref<200x4096x128xf32, #tpu.memory_space<hbm>> -> memref<1x128x128xf32, #tpu.memory_space<hbm>>
        %dma_wait3A_729 = tpu.memref_squeeze %dma_wait3A_728 : memref<1x128x128xf32, #tpu.memory_space<hbm>> -> memref<128x128xf32, #tpu.memory_space<hbm>>
        %dma_wait3A_730 = arith.constant 0 : i32
        %dma_wait3A_731 = tpu.memref_slice %arg4[%select_n3A_567, %rem3A_569, %dma_wait3A_730] : memref<200x4096x128xf32, #tpu.memory_space<hbm>> -> memref<1x128x128xf32, #tpu.memory_space<hbm>>
        %dma_wait3A_732 = tpu.memref_squeeze %dma_wait3A_731 : memref<1x128x128xf32, #tpu.memory_space<hbm>> -> memref<128x128xf32, #tpu.memory_space<hbm>>
        %dma_wait3A_733 = arith.constant 0 : i32
        %dma_wait3A_734 = arith.constant 0 : i32
        %dma_wait3A_735 = tpu.memref_slice %arg6[%run_scoped3A_570, %dma_wait3A_733, %dma_wait3A_734] : memref<6x128x128xf32, #tpu.memory_space<vmem>> -> memref<1x128x128xf32, #tpu.memory_space<vmem>>
        %dma_wait3A_736 = tpu.memref_squeeze %dma_wait3A_735 : memref<1x128x128xf32, #tpu.memory_space<vmem>> -> memref<128x128xf32, #tpu.memory_space<vmem>>
        tpu.wait_dma2 semaphore(%run_scoped3A_708 : memref<!tpu.dma_semaphore, #tpu.memory_space<semaphore_mem>>) src(%dma_wait3A_736 : memref<128x128xf32, #tpu.memory_space<vmem>>) dst(%dma_wait3A_732 : memref<128x128xf32, #tpu.memory_space<hbm>>)
        tpu.yield
      }) : () -> ()
      %add3A_571 = arith.constant 6 : i32
      %add3A_572 = arith.addi %add3A_525, %add3A_571 : i32
      %dma_start3A_573 = arith.constant 3 : i32
      %dma_start3A_574 = arith.constant 0 : i32
      %dma_start3A_575 = arith.constant 0 : i32
      %dma_start3A_576 = tpu.memref_slice %arg6[%dma_start3A_573, %dma_start3A_574, %dma_start3A_575] : memref<6x128x128xf32, #tpu.memory_space<vmem>> -> memref<1x128x128xf32, #tpu.memory_space<vmem>>
      %dma_start3A_577 = tpu.memref_squeeze %dma_start3A_576 : memref<1x128x128xf32, #tpu.memory_space<vmem>> -> memref<128x128xf32, #tpu.memory_space<vmem>>
      %dma_start3A_578 = arith.constant 0 : i32
      %dma_start3A_579 = tpu.memref_slice %arg5[%add3A_572, %dma_start3A_578] : memref<200x128xi32, #tpu.memory_space<vmem>> -> memref<1x128xi32, #tpu.memory_space<vmem>>
      %dma_start3A_580 = tpu.memref_squeeze %dma_start3A_579 : memref<1x128xi32, #tpu.memory_space<vmem>> -> memref<128xi32, #tpu.memory_space<vmem>>
      %dma_start3A_581 = arith.constant 0 : i32
      %dma_start3A_582 = arith.constant 0 : i32
      %dma_start3A_583 = tpu.memref_slice %arg3[%dma_start3A_581, %dma_start3A_582] : memref<1000000x128xf32, #tpu.memory_space<hbm>> -> memref<1000000x128xf32, #tpu.memory_space<hbm>>
      tpu.enqueue_indirect_dma source(%dma_start3A_583 : memref<1000000x128xf32, #tpu.memory_space<hbm>>) target(%dma_start3A_577 : memref<128x128xf32, #tpu.memory_space<vmem>>) offsets(%dma_start3A_580 : memref<128xi32, #tpu.memory_space<vmem>>) semaphore(%arg7 : memref<!tpu.dma_semaphore, #tpu.memory_space<semaphore_mem>>)
      %mul3A_584 = arith.constant 6 : i32
      %mul3A_585 = arith.muli %scan3A_335, %mul3A_584 : i32
      %add3A_586 = arith.constant 4 : i32
      %add3A_587 = arith.addi %mul3A_585, %add3A_586 : i32
      %dma_wait3A_588 = arith.constant 4 : i32
      %dma_wait3A_589 = arith.constant 0 : i32
      %dma_wait3A_590 = arith.constant 0 : i32
      %dma_wait3A_591 = tpu.memref_slice %arg6[%dma_wait3A_588, %dma_wait3A_589, %dma_wait3A_590] : memref<6x128x128xf32, #tpu.memory_space<vmem>> -> memref<1x128x128xf32, #tpu.memory_space<vmem>>
      %dma_wait3A_592 = tpu.memref_squeeze %dma_wait3A_591 : memref<1x128x128xf32, #tpu.memory_space<vmem>> -> memref<128x128xf32, #tpu.memory_space<vmem>>
      %dma_wait3A_593 = arith.constant 0 : i32
      %dma_wait3A_594 = arith.constant 0 : i32
      %dma_wait3A_595 = tpu.memref_slice %arg3[%dma_wait3A_593, %dma_wait3A_594] : memref<1000000x128xf32, #tpu.memory_space<hbm>> -> memref<128x128xf32, #tpu.memory_space<hbm>>
      %dma_wait3A_596 = arith.constant 0 : i32
      %dma_wait3A_597 = arith.constant 0 : i32
      %dma_wait3A_598 = tpu.memref_slice %arg6[%dma_wait3A_588, %dma_wait3A_596, %dma_wait3A_597] : memref<6x128x128xf32, #tpu.memory_space<vmem>> -> memref<1x128x128xf32, #tpu.memory_space<vmem>>
      %dma_wait3A_599 = tpu.memref_squeeze %dma_wait3A_598 : memref<1x128x128xf32, #tpu.memory_space<vmem>> -> memref<128x128xf32, #tpu.memory_space<vmem>>
      %dma_wait3A_600 = arith.constant 0 : i32
      %dma_wait3A_601 = arith.constant 0 : i32
      %dma_wait3A_602 = tpu.memref_slice %arg3[%dma_wait3A_600, %dma_wait3A_601] : memref<1000000x128xf32, #tpu.memory_space<hbm>> -> memref<128x128xf32, #tpu.memory_space<hbm>>
      tpu.wait_dma2 semaphore(%arg7 : memref<!tpu.dma_semaphore, #tpu.memory_space<semaphore_mem>>) src(%dma_wait3A_602 : memref<128x128xf32, #tpu.memory_space<hbm>>) dst(%dma_wait3A_599 : memref<128x128xf32, #tpu.memory_space<vmem>>)
      %mul3A_603 = arith.constant 128 : i32
      %mul3A_604 = arith.muli %add3A_587, %mul3A_603 : i32
      %add3A_605 = arith.addi %mul3A_2, %mul3A_604 : i32
      %jit3A_606 = arith.constant 4096 : i32
      %div3A_607 = arith.divsi %add3A_605, %jit3A_606 : i32
      %sign3A_608 = arith.constant 0 : i32
      %sign3A_609 = arith.cmpi sgt, %add3A_605, %sign3A_608 : i32
      %sign3A_610 = arith.extui %sign3A_609 : i1 to i32
      %sign3A_611 = arith.constant 0 : i32
      %sign3A_612 = arith.cmpi slt, %add3A_605, %sign3A_611 : i32
      %sign3A_613 = arith.extui %sign3A_612 : i1 to i32
      %sign3A_614 = arith.subi %sign3A_610, %sign3A_613 : i32
      %sign3A_615 = arith.constant 0 : i32
      %sign3A_616 = arith.cmpi sgt, %jit3A_606, %sign3A_615 : i32
      %sign3A_617 = arith.extui %sign3A_616 : i1 to i32
      %sign3A_618 = arith.constant 0 : i32
      %sign3A_619 = arith.cmpi slt, %jit3A_606, %sign3A_618 : i32
      %sign3A_620 = arith.extui %sign3A_619 : i1 to i32
      %sign3A_621 = arith.subi %sign3A_617, %sign3A_620 : i32
      %ne3A_622 = arith.cmpi ne, %sign3A_614, %sign3A_621 : i32
      %rem3A_623 = arith.remsi %add3A_605, %jit3A_606 : i32
      %ne3A_624 = arith.constant 0 : i32
      %ne3A_625 = arith.cmpi ne, %rem3A_623, %ne3A_624 : i32
      %and3A_626 = arith.andi %ne3A_622, %ne3A_625 : i1
      %sub3A_627 = arith.constant 1 : i32
      %sub3A_628 = arith.subi %div3A_607, %sub3A_627 : i32
      %select_n3A_629 = arith.select %and3A_626, %sub3A_628, %div3A_607 : i32
      %rem3A_630 = arith.constant 4096 : i32
      %rem3A_631 = arith.remsi %add3A_605, %rem3A_630 : i32
      %run_scoped3A_632 = arith.constant 4 : i32
      "tpu.region"() ({
        %run_scoped3A_708 = tpu.sem_alloc : memref<!tpu.dma_semaphore, #tpu.memory_space<semaphore_mem>>
        %dma_start3A_709 = arith.constant 0 : i32
        %dma_start3A_710 = arith.constant 0 : i32
        %dma_start3A_711 = tpu.memref_slice %arg6[%run_scoped3A_632, %dma_start3A_709, %dma_start3A_710] : memref<6x128x128xf32, #tpu.memory_space<vmem>> -> memref<1x128x128xf32, #tpu.memory_space<vmem>>
        %dma_start3A_712 = tpu.memref_squeeze %dma_start3A_711 : memref<1x128x128xf32, #tpu.memory_space<vmem>> -> memref<128x128xf32, #tpu.memory_space<vmem>>
        %dma_start3A_713 = arith.constant 0 : i32
        %dma_start3A_714 = tpu.memref_slice %arg4[%select_n3A_629, %rem3A_631, %dma_start3A_713] : memref<200x4096x128xf32, #tpu.memory_space<hbm>> -> memref<1x128x128xf32, #tpu.memory_space<hbm>>
        %dma_start3A_715 = tpu.memref_squeeze %dma_start3A_714 : memref<1x128x128xf32, #tpu.memory_space<hbm>> -> memref<128x128xf32, #tpu.memory_space<hbm>>
        %dma_start3A_716 = arith.constant 0 : i32
        %dma_start3A_717 = tpu.memref_slice %arg4[%select_n3A_629, %rem3A_631, %dma_start3A_716] : memref<200x4096x128xf32, #tpu.memory_space<hbm>> -> memref<1x128x128xf32, #tpu.memory_space<hbm>>
        %dma_start3A_718 = tpu.memref_squeeze %dma_start3A_717 : memref<1x128x128xf32, #tpu.memory_space<hbm>> -> memref<128x128xf32, #tpu.memory_space<hbm>>
        %dma_start3A_719 = arith.constant 0 : i32
        %dma_start3A_720 = arith.constant 0 : i32
        %dma_start3A_721 = tpu.memref_slice %arg6[%run_scoped3A_632, %dma_start3A_719, %dma_start3A_720] : memref<6x128x128xf32, #tpu.memory_space<vmem>> -> memref<1x128x128xf32, #tpu.memory_space<vmem>>
        %dma_start3A_722 = tpu.memref_squeeze %dma_start3A_721 : memref<1x128x128xf32, #tpu.memory_space<vmem>> -> memref<128x128xf32, #tpu.memory_space<vmem>>
        tpu.enqueue_dma source(%dma_start3A_722 : memref<128x128xf32, #tpu.memory_space<vmem>>) target(%dma_start3A_718 : memref<128x128xf32, #tpu.memory_space<hbm>>) target_semaphore(%run_scoped3A_708 : memref<!tpu.dma_semaphore, #tpu.memory_space<semaphore_mem>>)
        %dma_wait3A_723 = arith.constant 0 : i32
        %dma_wait3A_724 = arith.constant 0 : i32
        %dma_wait3A_725 = tpu.memref_slice %arg6[%run_scoped3A_632, %dma_wait3A_723, %dma_wait3A_724] : memref<6x128x128xf32, #tpu.memory_space<vmem>> -> memref<1x128x128xf32, #tpu.memory_space<vmem>>
        %dma_wait3A_726 = tpu.memref_squeeze %dma_wait3A_725 : memref<1x128x128xf32, #tpu.memory_space<vmem>> -> memref<128x128xf32, #tpu.memory_space<vmem>>
        %dma_wait3A_727 = arith.constant 0 : i32
        %dma_wait3A_728 = tpu.memref_slice %arg4[%select_n3A_629, %rem3A_631, %dma_wait3A_727] : memref<200x4096x128xf32, #tpu.memory_space<hbm>> -> memref<1x128x128xf32, #tpu.memory_space<hbm>>
        %dma_wait3A_729 = tpu.memref_squeeze %dma_wait3A_728 : memref<1x128x128xf32, #tpu.memory_space<hbm>> -> memref<128x128xf32, #tpu.memory_space<hbm>>
        %dma_wait3A_730 = arith.constant 0 : i32
        %dma_wait3A_731 = tpu.memref_slice %arg4[%select_n3A_629, %rem3A_631, %dma_wait3A_730] : memref<200x4096x128xf32, #tpu.memory_space<hbm>> -> memref<1x128x128xf32, #tpu.memory_space<hbm>>
        %dma_wait3A_732 = tpu.memref_squeeze %dma_wait3A_731 : memref<1x128x128xf32, #tpu.memory_space<hbm>> -> memref<128x128xf32, #tpu.memory_space<hbm>>
        %dma_wait3A_733 = arith.constant 0 : i32
        %dma_wait3A_734 = arith.constant 0 : i32
        %dma_wait3A_735 = tpu.memref_slice %arg6[%run_scoped3A_632, %dma_wait3A_733, %dma_wait3A_734] : memref<6x128x128xf32, #tpu.memory_space<vmem>> -> memref<1x128x128xf32, #tpu.memory_space<vmem>>
        %dma_wait3A_736 = tpu.memref_squeeze %dma_wait3A_735 : memref<1x128x128xf32, #tpu.memory_space<vmem>> -> memref<128x128xf32, #tpu.memory_space<vmem>>
        tpu.wait_dma2 semaphore(%run_scoped3A_708 : memref<!tpu.dma_semaphore, #tpu.memory_space<semaphore_mem>>) src(%dma_wait3A_736 : memref<128x128xf32, #tpu.memory_space<vmem>>) dst(%dma_wait3A_732 : memref<128x128xf32, #tpu.memory_space<hbm>>)
        tpu.yield
      }) : () -> ()
      %add3A_633 = arith.constant 6 : i32
      %add3A_634 = arith.addi %add3A_587, %add3A_633 : i32
      %dma_start3A_635 = arith.constant 4 : i32
      %dma_start3A_636 = arith.constant 0 : i32
      %dma_start3A_637 = arith.constant 0 : i32
      %dma_start3A_638 = tpu.memref_slice %arg6[%dma_start3A_635, %dma_start3A_636, %dma_start3A_637] : memref<6x128x128xf32, #tpu.memory_space<vmem>> -> memref<1x128x128xf32, #tpu.memory_space<vmem>>
      %dma_start3A_639 = tpu.memref_squeeze %dma_start3A_638 : memref<1x128x128xf32, #tpu.memory_space<vmem>> -> memref<128x128xf32, #tpu.memory_space<vmem>>
      %dma_start3A_640 = arith.constant 0 : i32
      %dma_start3A_641 = tpu.memref_slice %arg5[%add3A_634, %dma_start3A_640] : memref<200x128xi32, #tpu.memory_space<vmem>> -> memref<1x128xi32, #tpu.memory_space<vmem>>
      %dma_start3A_642 = tpu.memref_squeeze %dma_start3A_641 : memref<1x128xi32, #tpu.memory_space<vmem>> -> memref<128xi32, #tpu.memory_space<vmem>>
      %dma_start3A_643 = arith.constant 0 : i32
      %dma_start3A_644 = arith.constant 0 : i32
      %dma_start3A_645 = tpu.memref_slice %arg3[%dma_start3A_643, %dma_start3A_644] : memref<1000000x128xf32, #tpu.memory_space<hbm>> -> memref<1000000x128xf32, #tpu.memory_space<hbm>>
      tpu.enqueue_indirect_dma source(%dma_start3A_645 : memref<1000000x128xf32, #tpu.memory_space<hbm>>) target(%dma_start3A_639 : memref<128x128xf32, #tpu.memory_space<vmem>>) offsets(%dma_start3A_642 : memref<128xi32, #tpu.memory_space<vmem>>) semaphore(%arg7 : memref<!tpu.dma_semaphore, #tpu.memory_space<semaphore_mem>>)
      %mul3A_646 = arith.constant 6 : i32
      %mul3A_647 = arith.muli %scan3A_335, %mul3A_646 : i32
      %add3A_648 = arith.constant 5 : i32
      %add3A_649 = arith.addi %mul3A_647, %add3A_648 : i32
      %dma_wait3A_650 = arith.constant 5 : i32
      %dma_wait3A_651 = arith.constant 0 : i32
      %dma_wait3A_652 = arith.constant 0 : i32
      %dma_wait3A_653 = tpu.memref_slice %arg6[%dma_wait3A_650, %dma_wait3A_651, %dma_wait3A_652] : memref<6x128x128xf32, #tpu.memory_space<vmem>> -> memref<1x128x128xf32, #tpu.memory_space<vmem>>
      %dma_wait3A_654 = tpu.memref_squeeze %dma_wait3A_653 : memref<1x128x128xf32, #tpu.memory_space<vmem>> -> memref<128x128xf32, #tpu.memory_space<vmem>>
      %dma_wait3A_655 = arith.constant 0 : i32
      %dma_wait3A_656 = arith.constant 0 : i32
      %dma_wait3A_657 = tpu.memref_slice %arg3[%dma_wait3A_655, %dma_wait3A_656] : memref<1000000x128xf32, #tpu.memory_space<hbm>> -> memref<128x128xf32, #tpu.memory_space<hbm>>
      %dma_wait3A_658 = arith.constant 0 : i32
      %dma_wait3A_659 = arith.constant 0 : i32
      %dma_wait3A_660 = tpu.memref_slice %arg6[%dma_wait3A_650, %dma_wait3A_658, %dma_wait3A_659] : memref<6x128x128xf32, #tpu.memory_space<vmem>> -> memref<1x128x128xf32, #tpu.memory_space<vmem>>
      %dma_wait3A_661 = tpu.memref_squeeze %dma_wait3A_660 : memref<1x128x128xf32, #tpu.memory_space<vmem>> -> memref<128x128xf32, #tpu.memory_space<vmem>>
      %dma_wait3A_662 = arith.constant 0 : i32
      %dma_wait3A_663 = arith.constant 0 : i32
      %dma_wait3A_664 = tpu.memref_slice %arg3[%dma_wait3A_662, %dma_wait3A_663] : memref<1000000x128xf32, #tpu.memory_space<hbm>> -> memref<128x128xf32, #tpu.memory_space<hbm>>
      tpu.wait_dma2 semaphore(%arg7 : memref<!tpu.dma_semaphore, #tpu.memory_space<semaphore_mem>>) src(%dma_wait3A_664 : memref<128x128xf32, #tpu.memory_space<hbm>>) dst(%dma_wait3A_661 : memref<128x128xf32, #tpu.memory_space<vmem>>)
      %mul3A_665 = arith.constant 128 : i32
      %mul3A_666 = arith.muli %add3A_649, %mul3A_665 : i32
      %add3A_667 = arith.addi %mul3A_2, %mul3A_666 : i32
      %jit3A_668 = arith.constant 4096 : i32
      %div3A_669 = arith.divsi %add3A_667, %jit3A_668 : i32
      %sign3A_670 = arith.constant 0 : i32
      %sign3A_671 = arith.cmpi sgt, %add3A_667, %sign3A_670 : i32
      %sign3A_672 = arith.extui %sign3A_671 : i1 to i32
      %sign3A_673 = arith.constant 0 : i32
      %sign3A_674 = arith.cmpi slt, %add3A_667, %sign3A_673 : i32
      %sign3A_675 = arith.extui %sign3A_674 : i1 to i32
      %sign3A_676 = arith.subi %sign3A_672, %sign3A_675 : i32
      %sign3A_677 = arith.constant 0 : i32
      %sign3A_678 = arith.cmpi sgt, %jit3A_668, %sign3A_677 : i32
      %sign3A_679 = arith.extui %sign3A_678 : i1 to i32
      %sign3A_680 = arith.constant 0 : i32
      %sign3A_681 = arith.cmpi slt, %jit3A_668, %sign3A_680 : i32
      %sign3A_682 = arith.extui %sign3A_681 : i1 to i32
      %sign3A_683 = arith.subi %sign3A_679, %sign3A_682 : i32
      %ne3A_684 = arith.cmpi ne, %sign3A_676, %sign3A_683 : i32
      %rem3A_685 = arith.remsi %add3A_667, %jit3A_668 : i32
      %ne3A_686 = arith.constant 0 : i32
      %ne3A_687 = arith.cmpi ne, %rem3A_685, %ne3A_686 : i32
      %and3A_688 = arith.andi %ne3A_684, %ne3A_687 : i1
      %sub3A_689 = arith.constant 1 : i32
      %sub3A_690 = arith.subi %div3A_669, %sub3A_689 : i32
      %select_n3A_691 = arith.select %and3A_688, %sub3A_690, %div3A_669 : i32
      %rem3A_692 = arith.constant 4096 : i32
      %rem3A_693 = arith.remsi %add3A_667, %rem3A_692 : i32
      %run_scoped3A_694 = arith.constant 5 : i32
      "tpu.region"() ({
        %run_scoped3A_708 = tpu.sem_alloc : memref<!tpu.dma_semaphore, #tpu.memory_space<semaphore_mem>>
        %dma_start3A_709 = arith.constant 0 : i32
        %dma_start3A_710 = arith.constant 0 : i32
        %dma_start3A_711 = tpu.memref_slice %arg6[%run_scoped3A_694, %dma_start3A_709, %dma_start3A_710] : memref<6x128x128xf32, #tpu.memory_space<vmem>> -> memref<1x128x128xf32, #tpu.memory_space<vmem>>
        %dma_start3A_712 = tpu.memref_squeeze %dma_start3A_711 : memref<1x128x128xf32, #tpu.memory_space<vmem>> -> memref<128x128xf32, #tpu.memory_space<vmem>>
        %dma_start3A_713 = arith.constant 0 : i32
        %dma_start3A_714 = tpu.memref_slice %arg4[%select_n3A_691, %rem3A_693, %dma_start3A_713] : memref<200x4096x128xf32, #tpu.memory_space<hbm>> -> memref<1x128x128xf32, #tpu.memory_space<hbm>>
        %dma_start3A_715 = tpu.memref_squeeze %dma_start3A_714 : memref<1x128x128xf32, #tpu.memory_space<hbm>> -> memref<128x128xf32, #tpu.memory_space<hbm>>
        %dma_start3A_716 = arith.constant 0 : i32
        %dma_start3A_717 = tpu.memref_slice %arg4[%select_n3A_691, %rem3A_693, %dma_start3A_716] : memref<200x4096x128xf32, #tpu.memory_space<hbm>> -> memref<1x128x128xf32, #tpu.memory_space<hbm>>
        %dma_start3A_718 = tpu.memref_squeeze %dma_start3A_717 : memref<1x128x128xf32, #tpu.memory_space<hbm>> -> memref<128x128xf32, #tpu.memory_space<hbm>>
        %dma_start3A_719 = arith.constant 0 : i32
        %dma_start3A_720 = arith.constant 0 : i32
        %dma_start3A_721 = tpu.memref_slice %arg6[%run_scoped3A_694, %dma_start3A_719, %dma_start3A_720] : memref<6x128x128xf32, #tpu.memory_space<vmem>> -> memref<1x128x128xf32, #tpu.memory_space<vmem>>
        %dma_start3A_722 = tpu.memref_squeeze %dma_start3A_721 : memref<1x128x128xf32, #tpu.memory_space<vmem>> -> memref<128x128xf32, #tpu.memory_space<vmem>>
        tpu.enqueue_dma source(%dma_start3A_722 : memref<128x128xf32, #tpu.memory_space<vmem>>) target(%dma_start3A_718 : memref<128x128xf32, #tpu.memory_space<hbm>>) target_semaphore(%run_scoped3A_708 : memref<!tpu.dma_semaphore, #tpu.memory_space<semaphore_mem>>)
        %dma_wait3A_723 = arith.constant 0 : i32
        %dma_wait3A_724 = arith.constant 0 : i32
        %dma_wait3A_725 = tpu.memref_slice %arg6[%run_scoped3A_694, %dma_wait3A_723, %dma_wait3A_724] : memref<6x128x128xf32, #tpu.memory_space<vmem>> -> memref<1x128x128xf32, #tpu.memory_space<vmem>>
        %dma_wait3A_726 = tpu.memref_squeeze %dma_wait3A_725 : memref<1x128x128xf32, #tpu.memory_space<vmem>> -> memref<128x128xf32, #tpu.memory_space<vmem>>
        %dma_wait3A_727 = arith.constant 0 : i32
        %dma_wait3A_728 = tpu.memref_slice %arg4[%select_n3A_691, %rem3A_693, %dma_wait3A_727] : memref<200x4096x128xf32, #tpu.memory_space<hbm>> -> memref<1x128x128xf32, #tpu.memory_space<hbm>>
        %dma_wait3A_729 = tpu.memref_squeeze %dma_wait3A_728 : memref<1x128x128xf32, #tpu.memory_space<hbm>> -> memref<128x128xf32, #tpu.memory_space<hbm>>
        %dma_wait3A_730 = arith.constant 0 : i32
        %dma_wait3A_731 = tpu.memref_slice %arg4[%select_n3A_691, %rem3A_693, %dma_wait3A_730] : memref<200x4096x128xf32, #tpu.memory_space<hbm>> -> memref<1x128x128xf32, #tpu.memory_space<hbm>>
        %dma_wait3A_732 = tpu.memref_squeeze %dma_wait3A_731 : memref<1x128x128xf32, #tpu.memory_space<hbm>> -> memref<128x128xf32, #tpu.memory_space<hbm>>
        %dma_wait3A_733 = arith.constant 0 : i32
        %dma_wait3A_734 = arith.constant 0 : i32
        %dma_wait3A_735 = tpu.memref_slice %arg6[%run_scoped3A_694, %dma_wait3A_733, %dma_wait3A_734] : memref<6x128x128xf32, #tpu.memory_space<vmem>> -> memref<1x128x128xf32, #tpu.memory_space<vmem>>
        %dma_wait3A_736 = tpu.memref_squeeze %dma_wait3A_735 : memref<1x128x128xf32, #tpu.memory_space<vmem>> -> memref<128x128xf32, #tpu.memory_space<vmem>>
        tpu.wait_dma2 semaphore(%run_scoped3A_708 : memref<!tpu.dma_semaphore, #tpu.memory_space<semaphore_mem>>) src(%dma_wait3A_736 : memref<128x128xf32, #tpu.memory_space<vmem>>) dst(%dma_wait3A_732 : memref<128x128xf32, #tpu.memory_space<hbm>>)
        tpu.yield
      }) : () -> ()
      %add3A_695 = arith.constant 6 : i32
      %add3A_696 = arith.addi %add3A_649, %add3A_695 : i32
      %dma_start3A_697 = arith.constant 5 : i32
      %dma_start3A_698 = arith.constant 0 : i32
      %dma_start3A_699 = arith.constant 0 : i32
      %dma_start3A_700 = tpu.memref_slice %arg6[%dma_start3A_697, %dma_start3A_698, %dma_start3A_699] : memref<6x128x128xf32, #tpu.memory_space<vmem>> -> memref<1x128x128xf32, #tpu.memory_space<vmem>>
      %dma_start3A_701 = tpu.memref_squeeze %dma_start3A_700 : memref<1x128x128xf32, #tpu.memory_space<vmem>> -> memref<128x128xf32, #tpu.memory_space<vmem>>
      %dma_start3A_702 = arith.constant 0 : i32
      %dma_start3A_703 = tpu.memref_slice %arg5[%add3A_696, %dma_start3A_702] : memref<200x128xi32, #tpu.memory_space<vmem>> -> memref<1x128xi32, #tpu.memory_space<vmem>>
      %dma_start3A_704 = tpu.memref_squeeze %dma_start3A_703 : memref<1x128xi32, #tpu.memory_space<vmem>> -> memref<128xi32, #tpu.memory_space<vmem>>
      %dma_start3A_705 = arith.constant 0 : i32
      %dma_start3A_706 = arith.constant 0 : i32
      %dma_start3A_707 = tpu.memref_slice %arg3[%dma_start3A_705, %dma_start3A_706] : memref<1000000x128xf32, #tpu.memory_space<hbm>> -> memref<1000000x128xf32, #tpu.memory_space<hbm>>
      tpu.enqueue_indirect_dma source(%dma_start3A_707 : memref<1000000x128xf32, #tpu.memory_space<hbm>>) target(%dma_start3A_701 : memref<128x128xf32, #tpu.memory_space<vmem>>) offsets(%dma_start3A_704 : memref<128xi32, #tpu.memory_space<vmem>>) semaphore(%arg7 : memref<!tpu.dma_semaphore, #tpu.memory_space<semaphore_mem>>)
    }
    %scan3A_80 = arith.constant 32 : i32
    %dma_wait3A = arith.constant 0 : i32
    %dma_wait3A_81 = arith.constant 0 : i32
    %dma_wait3A_82 = arith.constant 0 : i32
    %dma_wait3A_83 = tpu.memref_slice %arg6[%dma_wait3A, %dma_wait3A_81, %dma_wait3A_82] : memref<6x128x128xf32, #tpu.memory_space<vmem>> -> memref<1x128x128xf32, #tpu.memory_space<vmem>>
    %dma_wait3A_84 = tpu.memref_squeeze %dma_wait3A_83 : memref<1x128x128xf32, #tpu.memory_space<vmem>> -> memref<128x128xf32, #tpu.memory_space<vmem>>
    %dma_wait3A_85 = arith.constant 0 : i32
    %dma_wait3A_86 = arith.constant 0 : i32
    %dma_wait3A_87 = tpu.memref_slice %arg3[%dma_wait3A_85, %dma_wait3A_86] : memref<1000000x128xf32, #tpu.memory_space<hbm>> -> memref<128x128xf32, #tpu.memory_space<hbm>>
    %dma_wait3A_88 = arith.constant 0 : i32
    %dma_wait3A_89 = arith.constant 0 : i32
    %dma_wait3A_90 = tpu.memref_slice %arg6[%dma_wait3A, %dma_wait3A_88, %dma_wait3A_89] : memref<6x128x128xf32, #tpu.memory_space<vmem>> -> memref<1x128x128xf32, #tpu.memory_space<vmem>>
    %dma_wait3A_91 = tpu.memref_squeeze %dma_wait3A_90 : memref<1x128x128xf32, #tpu.memory_space<vmem>> -> memref<128x128xf32, #tpu.memory_space<vmem>>
    %dma_wait3A_92 = arith.constant 0 : i32
    %dma_wait3A_93 = arith.constant 0 : i32
    %dma_wait3A_94 = tpu.memref_slice %arg3[%dma_wait3A_92, %dma_wait3A_93] : memref<1000000x128xf32, #tpu.memory_space<hbm>> -> memref<128x128xf32, #tpu.memory_space<hbm>>
    tpu.wait_dma2 semaphore(%arg7 : memref<!tpu.dma_semaphore, #tpu.memory_space<semaphore_mem>>) src(%dma_wait3A_94 : memref<128x128xf32, #tpu.memory_space<hbm>>) dst(%dma_wait3A_91 : memref<128x128xf32, #tpu.memory_space<vmem>>)
    %add3A_95 = arith.constant 24576 : i32
    %add3A_96 = arith.addi %mul3A_2, %add3A_95 : i32
    %jit3A = arith.constant 4096 : i32
    %div3A = arith.divsi %add3A_96, %jit3A : i32
    %sign3A = arith.constant 0 : i32
    %sign3A_97 = arith.cmpi sgt, %add3A_96, %sign3A : i32
    %sign3A_98 = arith.extui %sign3A_97 : i1 to i32
    %sign3A_99 = arith.constant 0 : i32
    %sign3A_100 = arith.cmpi slt, %add3A_96, %sign3A_99 : i32
    %sign3A_101 = arith.extui %sign3A_100 : i1 to i32
    %sign3A_102 = arith.subi %sign3A_98, %sign3A_101 : i32
    %sign3A_103 = arith.constant 0 : i32
    %sign3A_104 = arith.cmpi sgt, %jit3A, %sign3A_103 : i32
    %sign3A_105 = arith.extui %sign3A_104 : i1 to i32
    %sign3A_106 = arith.constant 0 : i32
    %sign3A_107 = arith.cmpi slt, %jit3A, %sign3A_106 : i32
    %sign3A_108 = arith.extui %sign3A_107 : i1 to i32
    %sign3A_109 = arith.subi %sign3A_105, %sign3A_108 : i32
    %ne3A = arith.cmpi ne, %sign3A_102, %sign3A_109 : i32
    %rem3A = arith.remsi %add3A_96, %jit3A : i32
    %ne3A_110 = arith.constant 0 : i32
    %ne3A_111 = arith.cmpi ne, %rem3A, %ne3A_110 : i32
    %and3A = arith.andi %ne3A, %ne3A_111 : i1
    %sub3A = arith.constant 1 : i32
    %sub3A_112 = arith.subi %div3A, %sub3A : i32
    %select_n3A = arith.select %and3A, %sub3A_112, %div3A : i32
    %rem3A_113 = arith.constant 4096 : i32
    %rem3A_114 = arith.remsi %add3A_96, %rem3A_113 : i32
    %run_scoped3A = arith.constant 0 : i32
    "tpu.region"() ({
      %run_scoped3A_335 = tpu.sem_alloc : memref<!tpu.dma_semaphore, #tpu.memory_space<semaphore_mem>>
      %dma_start3A_336 = arith.constant 0 : i32
      %dma_start3A_337 = arith.constant 0 : i32
      %dma_start3A_338 = tpu.memref_slice %arg6[%run_scoped3A, %dma_start3A_336, %dma_start3A_337] : memref<6x128x128xf32, #tpu.memory_space<vmem>> -> memref<1x128x128xf32, #tpu.memory_space<vmem>>
      %dma_start3A_339 = tpu.memref_squeeze %dma_start3A_338 : memref<1x128x128xf32, #tpu.memory_space<vmem>> -> memref<128x128xf32, #tpu.memory_space<vmem>>
      %dma_start3A_340 = arith.constant 0 : i32
      %dma_start3A_341 = tpu.memref_slice %arg4[%select_n3A, %rem3A_114, %dma_start3A_340] : memref<200x4096x128xf32, #tpu.memory_space<hbm>> -> memref<1x128x128xf32, #tpu.memory_space<hbm>>
      %dma_start3A_342 = tpu.memref_squeeze %dma_start3A_341 : memref<1x128x128xf32, #tpu.memory_space<hbm>> -> memref<128x128xf32, #tpu.memory_space<hbm>>
      %dma_start3A_343 = arith.constant 0 : i32
      %dma_start3A_344 = tpu.memref_slice %arg4[%select_n3A, %rem3A_114, %dma_start3A_343] : memref<200x4096x128xf32, #tpu.memory_space<hbm>> -> memref<1x128x128xf32, #tpu.memory_space<hbm>>
      %dma_start3A_345 = tpu.memref_squeeze %dma_start3A_344 : memref<1x128x128xf32, #tpu.memory_space<hbm>> -> memref<128x128xf32, #tpu.memory_space<hbm>>
      %dma_start3A_346 = arith.constant 0 : i32
      %dma_start3A_347 = arith.constant 0 : i32
      %dma_start3A_348 = tpu.memref_slice %arg6[%run_scoped3A, %dma_start3A_346, %dma_start3A_347] : memref<6x128x128xf32, #tpu.memory_space<vmem>> -> memref<1x128x128xf32, #tpu.memory_space<vmem>>
      %dma_start3A_349 = tpu.memref_squeeze %dma_start3A_348 : memref<1x128x128xf32, #tpu.memory_space<vmem>> -> memref<128x128xf32, #tpu.memory_space<vmem>>
      tpu.enqueue_dma source(%dma_start3A_349 : memref<128x128xf32, #tpu.memory_space<vmem>>) target(%dma_start3A_345 : memref<128x128xf32, #tpu.memory_space<hbm>>) target_semaphore(%run_scoped3A_335 : memref<!tpu.dma_semaphore, #tpu.memory_space<semaphore_mem>>)
      %dma_wait3A_350 = arith.constant 0 : i32
      %dma_wait3A_351 = arith.constant 0 : i32
      %dma_wait3A_352 = tpu.memref_slice %arg6[%run_scoped3A, %dma_wait3A_350, %dma_wait3A_351] : memref<6x128x128xf32, #tpu.memory_space<vmem>> -> memref<1x128x128xf32, #tpu.memory_space<vmem>>
      %dma_wait3A_353 = tpu.memref_squeeze %dma_wait3A_352 : memref<1x128x128xf32, #tpu.memory_space<vmem>> -> memref<128x128xf32, #tpu.memory_space<vmem>>
      %dma_wait3A_354 = arith.constant 0 : i32
      %dma_wait3A_355 = tpu.memref_slice %arg4[%select_n3A, %rem3A_114, %dma_wait3A_354] : memref<200x4096x128xf32, #tpu.memory_space<hbm>> -> memref<1x128x128xf32, #tpu.memory_space<hbm>>
      %dma_wait3A_356 = tpu.memref_squeeze %dma_wait3A_355 : memref<1x128x128xf32, #tpu.memory_space<hbm>> -> memref<128x128xf32, #tpu.memory_space<hbm>>
      %dma_wait3A_357 = arith.constant 0 : i32
      %dma_wait3A_358 = tpu.memref_slice %arg4[%select_n3A, %rem3A_114, %dma_wait3A_357] : memref<200x4096x128xf32, #tpu.memory_space<hbm>> -> memref<1x128x128xf32, #tpu.memory_space<hbm>>
      %dma_wait3A_359 = tpu.memref_squeeze %dma_wait3A_358 : memref<1x128x128xf32, #tpu.memory_space<hbm>> -> memref<128x128xf32, #tpu.memory_space<hbm>>
      %dma_wait3A_360 = arith.constant 0 : i32
      %dma_wait3A_361 = arith.constant 0 : i32
      %dma_wait3A_362 = tpu.memref_slice %arg6[%run_scoped3A, %dma_wait3A_360, %dma_wait3A_361] : memref<6x128x128xf32, #tpu.memory_space<vmem>> -> memref<1x128x128xf32, #tpu.memory_space<vmem>>
      %dma_wait3A_363 = tpu.memref_squeeze %dma_wait3A_362 : memref<1x128x128xf32, #tpu.memory_space<vmem>> -> memref<128x128xf32, #tpu.memory_space<vmem>>
      tpu.wait_dma2 semaphore(%run_scoped3A_335 : memref<!tpu.dma_semaphore, #tpu.memory_space<semaphore_mem>>) src(%dma_wait3A_363 : memref<128x128xf32, #tpu.memory_space<vmem>>) dst(%dma_wait3A_359 : memref<128x128xf32, #tpu.memory_space<hbm>>)
      tpu.yield
    }) : () -> ()
    %dma_wait3A_115 = arith.constant 1 : i32
    %dma_wait3A_116 = arith.constant 0 : i32
    %dma_wait3A_117 = arith.constant 0 : i32
    %dma_wait3A_118 = tpu.memref_slice %arg6[%dma_wait3A_115, %dma_wait3A_116, %dma_wait3A_117] : memref<6x128x128xf32, #tpu.memory_space<vmem>> -> memref<1x128x128xf32, #tpu.memory_space<vmem>>
    %dma_wait3A_119 = tpu.memref_squeeze %dma_wait3A_118 : memref<1x128x128xf32, #tpu.memory_space<vmem>> -> memref<128x128xf32, #tpu.memory_space<vmem>>
    %dma_wait3A_120 = arith.constant 0 : i32
    %dma_wait3A_121 = arith.constant 0 : i32
    %dma_wait3A_122 = tpu.memref_slice %arg3[%dma_wait3A_120, %dma_wait3A_121] : memref<1000000x128xf32, #tpu.memory_space<hbm>> -> memref<128x128xf32, #tpu.memory_space<hbm>>
    %dma_wait3A_123 = arith.constant 0 : i32
    %dma_wait3A_124 = arith.constant 0 : i32
    %dma_wait3A_125 = tpu.memref_slice %arg6[%dma_wait3A_115, %dma_wait3A_123, %dma_wait3A_124] : memref<6x128x128xf32, #tpu.memory_space<vmem>> -> memref<1x128x128xf32, #tpu.memory_space<vmem>>
    %dma_wait3A_126 = tpu.memref_squeeze %dma_wait3A_125 : memref<1x128x128xf32, #tpu.memory_space<vmem>> -> memref<128x128xf32, #tpu.memory_space<vmem>>
    %dma_wait3A_127 = arith.constant 0 : i32
    %dma_wait3A_128 = arith.constant 0 : i32
    %dma_wait3A_129 = tpu.memref_slice %arg3[%dma_wait3A_127, %dma_wait3A_128] : memref<1000000x128xf32, #tpu.memory_space<hbm>> -> memref<128x128xf32, #tpu.memory_space<hbm>>
    tpu.wait_dma2 semaphore(%arg7 : memref<!tpu.dma_semaphore, #tpu.memory_space<semaphore_mem>>) src(%dma_wait3A_129 : memref<128x128xf32, #tpu.memory_space<hbm>>) dst(%dma_wait3A_126 : memref<128x128xf32, #tpu.memory_space<vmem>>)
    %add3A_130 = arith.constant 24704 : i32
    %add3A_131 = arith.addi %mul3A_2, %add3A_130 : i32
    %jit3A_132 = arith.constant 4096 : i32
    %div3A_133 = arith.divsi %add3A_131, %jit3A_132 : i32
    %sign3A_134 = arith.constant 0 : i32
    %sign3A_135 = arith.cmpi sgt, %add3A_131, %sign3A_134 : i32
    %sign3A_136 = arith.extui %sign3A_135 : i1 to i32
    %sign3A_137 = arith.constant 0 : i32
    %sign3A_138 = arith.cmpi slt, %add3A_131, %sign3A_137 : i32
    %sign3A_139 = arith.extui %sign3A_138 : i1 to i32
    %sign3A_140 = arith.subi %sign3A_136, %sign3A_139 : i32
    %sign3A_141 = arith.constant 0 : i32
    %sign3A_142 = arith.cmpi sgt, %jit3A_132, %sign3A_141 : i32
    %sign3A_143 = arith.extui %sign3A_142 : i1 to i32
    %sign3A_144 = arith.constant 0 : i32
    %sign3A_145 = arith.cmpi slt, %jit3A_132, %sign3A_144 : i32
    %sign3A_146 = arith.extui %sign3A_145 : i1 to i32
    %sign3A_147 = arith.subi %sign3A_143, %sign3A_146 : i32
    %ne3A_148 = arith.cmpi ne, %sign3A_140, %sign3A_147 : i32
    %rem3A_149 = arith.remsi %add3A_131, %jit3A_132 : i32
    %ne3A_150 = arith.constant 0 : i32
    %ne3A_151 = arith.cmpi ne, %rem3A_149, %ne3A_150 : i32
    %and3A_152 = arith.andi %ne3A_148, %ne3A_151 : i1
    %sub3A_153 = arith.constant 1 : i32
    %sub3A_154 = arith.subi %div3A_133, %sub3A_153 : i32
    %select_n3A_155 = arith.select %and3A_152, %sub3A_154, %div3A_133 : i32
    %rem3A_156 = arith.constant 4096 : i32
    %rem3A_157 = arith.remsi %add3A_131, %rem3A_156 : i32
    %run_scoped3A_158 = arith.constant 1 : i32
    "tpu.region"() ({
      %run_scoped3A_335 = tpu.sem_alloc : memref<!tpu.dma_semaphore, #tpu.memory_space<semaphore_mem>>
      %dma_start3A_336 = arith.constant 0 : i32
      %dma_start3A_337 = arith.constant 0 : i32
      %dma_start3A_338 = tpu.memref_slice %arg6[%run_scoped3A_158, %dma_start3A_336, %dma_start3A_337] : memref<6x128x128xf32, #tpu.memory_space<vmem>> -> memref<1x128x128xf32, #tpu.memory_space<vmem>>
      %dma_start3A_339 = tpu.memref_squeeze %dma_start3A_338 : memref<1x128x128xf32, #tpu.memory_space<vmem>> -> memref<128x128xf32, #tpu.memory_space<vmem>>
      %dma_start3A_340 = arith.constant 0 : i32
      %dma_start3A_341 = tpu.memref_slice %arg4[%select_n3A_155, %rem3A_157, %dma_start3A_340] : memref<200x4096x128xf32, #tpu.memory_space<hbm>> -> memref<1x128x128xf32, #tpu.memory_space<hbm>>
      %dma_start3A_342 = tpu.memref_squeeze %dma_start3A_341 : memref<1x128x128xf32, #tpu.memory_space<hbm>> -> memref<128x128xf32, #tpu.memory_space<hbm>>
      %dma_start3A_343 = arith.constant 0 : i32
      %dma_start3A_344 = tpu.memref_slice %arg4[%select_n3A_155, %rem3A_157, %dma_start3A_343] : memref<200x4096x128xf32, #tpu.memory_space<hbm>> -> memref<1x128x128xf32, #tpu.memory_space<hbm>>
      %dma_start3A_345 = tpu.memref_squeeze %dma_start3A_344 : memref<1x128x128xf32, #tpu.memory_space<hbm>> -> memref<128x128xf32, #tpu.memory_space<hbm>>
      %dma_start3A_346 = arith.constant 0 : i32
      %dma_start3A_347 = arith.constant 0 : i32
      %dma_start3A_348 = tpu.memref_slice %arg6[%run_scoped3A_158, %dma_start3A_346, %dma_start3A_347] : memref<6x128x128xf32, #tpu.memory_space<vmem>> -> memref<1x128x128xf32, #tpu.memory_space<vmem>>
      %dma_start3A_349 = tpu.memref_squeeze %dma_start3A_348 : memref<1x128x128xf32, #tpu.memory_space<vmem>> -> memref<128x128xf32, #tpu.memory_space<vmem>>
      tpu.enqueue_dma source(%dma_start3A_349 : memref<128x128xf32, #tpu.memory_space<vmem>>) target(%dma_start3A_345 : memref<128x128xf32, #tpu.memory_space<hbm>>) target_semaphore(%run_scoped3A_335 : memref<!tpu.dma_semaphore, #tpu.memory_space<semaphore_mem>>)
      %dma_wait3A_350 = arith.constant 0 : i32
      %dma_wait3A_351 = arith.constant 0 : i32
      %dma_wait3A_352 = tpu.memref_slice %arg6[%run_scoped3A_158, %dma_wait3A_350, %dma_wait3A_351] : memref<6x128x128xf32, #tpu.memory_space<vmem>> -> memref<1x128x128xf32, #tpu.memory_space<vmem>>
      %dma_wait3A_353 = tpu.memref_squeeze %dma_wait3A_352 : memref<1x128x128xf32, #tpu.memory_space<vmem>> -> memref<128x128xf32, #tpu.memory_space<vmem>>
      %dma_wait3A_354 = arith.constant 0 : i32
      %dma_wait3A_355 = tpu.memref_slice %arg4[%select_n3A_155, %rem3A_157, %dma_wait3A_354] : memref<200x4096x128xf32, #tpu.memory_space<hbm>> -> memref<1x128x128xf32, #tpu.memory_space<hbm>>
      %dma_wait3A_356 = tpu.memref_squeeze %dma_wait3A_355 : memref<1x128x128xf32, #tpu.memory_space<hbm>> -> memref<128x128xf32, #tpu.memory_space<hbm>>
      %dma_wait3A_357 = arith.constant 0 : i32
      %dma_wait3A_358 = tpu.memref_slice %arg4[%select_n3A_155, %rem3A_157, %dma_wait3A_357] : memref<200x4096x128xf32, #tpu.memory_space<hbm>> -> memref<1x128x128xf32, #tpu.memory_space<hbm>>
      %dma_wait3A_359 = tpu.memref_squeeze %dma_wait3A_358 : memref<1x128x128xf32, #tpu.memory_space<hbm>> -> memref<128x128xf32, #tpu.memory_space<hbm>>
      %dma_wait3A_360 = arith.constant 0 : i32
      %dma_wait3A_361 = arith.constant 0 : i32
      %dma_wait3A_362 = tpu.memref_slice %arg6[%run_scoped3A_158, %dma_wait3A_360, %dma_wait3A_361] : memref<6x128x128xf32, #tpu.memory_space<vmem>> -> memref<1x128x128xf32, #tpu.memory_space<vmem>>
      %dma_wait3A_363 = tpu.memref_squeeze %dma_wait3A_362 : memref<1x128x128xf32, #tpu.memory_space<vmem>> -> memref<128x128xf32, #tpu.memory_space<vmem>>
      tpu.wait_dma2 semaphore(%run_scoped3A_335 : memref<!tpu.dma_semaphore, #tpu.memory_space<semaphore_mem>>) src(%dma_wait3A_363 : memref<128x128xf32, #tpu.memory_space<vmem>>) dst(%dma_wait3A_359 : memref<128x128xf32, #tpu.memory_space<hbm>>)
      tpu.yield
    }) : () -> ()
    %dma_wait3A_159 = arith.constant 2 : i32
    %dma_wait3A_160 = arith.constant 0 : i32
    %dma_wait3A_161 = arith.constant 0 : i32
    %dma_wait3A_162 = tpu.memref_slice %arg6[%dma_wait3A_159, %dma_wait3A_160, %dma_wait3A_161] : memref<6x128x128xf32, #tpu.memory_space<vmem>> -> memref<1x128x128xf32, #tpu.memory_space<vmem>>
    %dma_wait3A_163 = tpu.memref_squeeze %dma_wait3A_162 : memref<1x128x128xf32, #tpu.memory_space<vmem>> -> memref<128x128xf32, #tpu.memory_space<vmem>>
    %dma_wait3A_164 = arith.constant 0 : i32
    %dma_wait3A_165 = arith.constant 0 : i32
    %dma_wait3A_166 = tpu.memref_slice %arg3[%dma_wait3A_164, %dma_wait3A_165] : memref<1000000x128xf32, #tpu.memory_space<hbm>> -> memref<128x128xf32, #tpu.memory_space<hbm>>
    %dma_wait3A_167 = arith.constant 0 : i32
    %dma_wait3A_168 = arith.constant 0 : i32
    %dma_wait3A_169 = tpu.memref_slice %arg6[%dma_wait3A_159, %dma_wait3A_167, %dma_wait3A_168] : memref<6x128x128xf32, #tpu.memory_space<vmem>> -> memref<1x128x128xf32, #tpu.memory_space<vmem>>
    %dma_wait3A_170 = tpu.memref_squeeze %dma_wait3A_169 : memref<1x128x128xf32, #tpu.memory_space<vmem>> -> memref<128x128xf32, #tpu.memory_space<vmem>>
    %dma_wait3A_171 = arith.constant 0 : i32
    %dma_wait3A_172 = arith.constant 0 : i32
    %dma_wait3A_173 = tpu.memref_slice %arg3[%dma_wait3A_171, %dma_wait3A_172] : memref<1000000x128xf32, #tpu.memory_space<hbm>> -> memref<128x128xf32, #tpu.memory_space<hbm>>
    tpu.wait_dma2 semaphore(%arg7 : memref<!tpu.dma_semaphore, #tpu.memory_space<semaphore_mem>>) src(%dma_wait3A_173 : memref<128x128xf32, #tpu.memory_space<hbm>>) dst(%dma_wait3A_170 : memref<128x128xf32, #tpu.memory_space<vmem>>)
    %add3A_174 = arith.constant 24832 : i32
    %add3A_175 = arith.addi %mul3A_2, %add3A_174 : i32
    %jit3A_176 = arith.constant 4096 : i32
    %div3A_177 = arith.divsi %add3A_175, %jit3A_176 : i32
    %sign3A_178 = arith.constant 0 : i32
    %sign3A_179 = arith.cmpi sgt, %add3A_175, %sign3A_178 : i32
    %sign3A_180 = arith.extui %sign3A_179 : i1 to i32
    %sign3A_181 = arith.constant 0 : i32
    %sign3A_182 = arith.cmpi slt, %add3A_175, %sign3A_181 : i32
    %sign3A_183 = arith.extui %sign3A_182 : i1 to i32
    %sign3A_184 = arith.subi %sign3A_180, %sign3A_183 : i32
    %sign3A_185 = arith.constant 0 : i32
    %sign3A_186 = arith.cmpi sgt, %jit3A_176, %sign3A_185 : i32
    %sign3A_187 = arith.extui %sign3A_186 : i1 to i32
    %sign3A_188 = arith.constant 0 : i32
    %sign3A_189 = arith.cmpi slt, %jit3A_176, %sign3A_188 : i32
    %sign3A_190 = arith.extui %sign3A_189 : i1 to i32
    %sign3A_191 = arith.subi %sign3A_187, %sign3A_190 : i32
    %ne3A_192 = arith.cmpi ne, %sign3A_184, %sign3A_191 : i32
    %rem3A_193 = arith.remsi %add3A_175, %jit3A_176 : i32
    %ne3A_194 = arith.constant 0 : i32
    %ne3A_195 = arith.cmpi ne, %rem3A_193, %ne3A_194 : i32
    %and3A_196 = arith.andi %ne3A_192, %ne3A_195 : i1
    %sub3A_197 = arith.constant 1 : i32
    %sub3A_198 = arith.subi %div3A_177, %sub3A_197 : i32
    %select_n3A_199 = arith.select %and3A_196, %sub3A_198, %div3A_177 : i32
    %rem3A_200 = arith.constant 4096 : i32
    %rem3A_201 = arith.remsi %add3A_175, %rem3A_200 : i32
    %run_scoped3A_202 = arith.constant 2 : i32
    "tpu.region"() ({
      %run_scoped3A_335 = tpu.sem_alloc : memref<!tpu.dma_semaphore, #tpu.memory_space<semaphore_mem>>
      %dma_start3A_336 = arith.constant 0 : i32
      %dma_start3A_337 = arith.constant 0 : i32
      %dma_start3A_338 = tpu.memref_slice %arg6[%run_scoped3A_202, %dma_start3A_336, %dma_start3A_337] : memref<6x128x128xf32, #tpu.memory_space<vmem>> -> memref<1x128x128xf32, #tpu.memory_space<vmem>>
      %dma_start3A_339 = tpu.memref_squeeze %dma_start3A_338 : memref<1x128x128xf32, #tpu.memory_space<vmem>> -> memref<128x128xf32, #tpu.memory_space<vmem>>
      %dma_start3A_340 = arith.constant 0 : i32
      %dma_start3A_341 = tpu.memref_slice %arg4[%select_n3A_199, %rem3A_201, %dma_start3A_340] : memref<200x4096x128xf32, #tpu.memory_space<hbm>> -> memref<1x128x128xf32, #tpu.memory_space<hbm>>
      %dma_start3A_342 = tpu.memref_squeeze %dma_start3A_341 : memref<1x128x128xf32, #tpu.memory_space<hbm>> -> memref<128x128xf32, #tpu.memory_space<hbm>>
      %dma_start3A_343 = arith.constant 0 : i32
      %dma_start3A_344 = tpu.memref_slice %arg4[%select_n3A_199, %rem3A_201, %dma_start3A_343] : memref<200x4096x128xf32, #tpu.memory_space<hbm>> -> memref<1x128x128xf32, #tpu.memory_space<hbm>>
      %dma_start3A_345 = tpu.memref_squeeze %dma_start3A_344 : memref<1x128x128xf32, #tpu.memory_space<hbm>> -> memref<128x128xf32, #tpu.memory_space<hbm>>
      %dma_start3A_346 = arith.constant 0 : i32
      %dma_start3A_347 = arith.constant 0 : i32
      %dma_start3A_348 = tpu.memref_slice %arg6[%run_scoped3A_202, %dma_start3A_346, %dma_start3A_347] : memref<6x128x128xf32, #tpu.memory_space<vmem>> -> memref<1x128x128xf32, #tpu.memory_space<vmem>>
      %dma_start3A_349 = tpu.memref_squeeze %dma_start3A_348 : memref<1x128x128xf32, #tpu.memory_space<vmem>> -> memref<128x128xf32, #tpu.memory_space<vmem>>
      tpu.enqueue_dma source(%dma_start3A_349 : memref<128x128xf32, #tpu.memory_space<vmem>>) target(%dma_start3A_345 : memref<128x128xf32, #tpu.memory_space<hbm>>) target_semaphore(%run_scoped3A_335 : memref<!tpu.dma_semaphore, #tpu.memory_space<semaphore_mem>>)
      %dma_wait3A_350 = arith.constant 0 : i32
      %dma_wait3A_351 = arith.constant 0 : i32
      %dma_wait3A_352 = tpu.memref_slice %arg6[%run_scoped3A_202, %dma_wait3A_350, %dma_wait3A_351] : memref<6x128x128xf32, #tpu.memory_space<vmem>> -> memref<1x128x128xf32, #tpu.memory_space<vmem>>
      %dma_wait3A_353 = tpu.memref_squeeze %dma_wait3A_352 : memref<1x128x128xf32, #tpu.memory_space<vmem>> -> memref<128x128xf32, #tpu.memory_space<vmem>>
      %dma_wait3A_354 = arith.constant 0 : i32
      %dma_wait3A_355 = tpu.memref_slice %arg4[%select_n3A_199, %rem3A_201, %dma_wait3A_354] : memref<200x4096x128xf32, #tpu.memory_space<hbm>> -> memref<1x128x128xf32, #tpu.memory_space<hbm>>
      %dma_wait3A_356 = tpu.memref_squeeze %dma_wait3A_355 : memref<1x128x128xf32, #tpu.memory_space<hbm>> -> memref<128x128xf32, #tpu.memory_space<hbm>>
      %dma_wait3A_357 = arith.constant 0 : i32
      %dma_wait3A_358 = tpu.memref_slice %arg4[%select_n3A_199, %rem3A_201, %dma_wait3A_357] : memref<200x4096x128xf32, #tpu.memory_space<hbm>> -> memref<1x128x128xf32, #tpu.memory_space<hbm>>
      %dma_wait3A_359 = tpu.memref_squeeze %dma_wait3A_358 : memref<1x128x128xf32, #tpu.memory_space<hbm>> -> memref<128x128xf32, #tpu.memory_space<hbm>>
      %dma_wait3A_360 = arith.constant 0 : i32
      %dma_wait3A_361 = arith.constant 0 : i32
      %dma_wait3A_362 = tpu.memref_slice %arg6[%run_scoped3A_202, %dma_wait3A_360, %dma_wait3A_361] : memref<6x128x128xf32, #tpu.memory_space<vmem>> -> memref<1x128x128xf32, #tpu.memory_space<vmem>>
      %dma_wait3A_363 = tpu.memref_squeeze %dma_wait3A_362 : memref<1x128x128xf32, #tpu.memory_space<vmem>> -> memref<128x128xf32, #tpu.memory_space<vmem>>
      tpu.wait_dma2 semaphore(%run_scoped3A_335 : memref<!tpu.dma_semaphore, #tpu.memory_space<semaphore_mem>>) src(%dma_wait3A_363 : memref<128x128xf32, #tpu.memory_space<vmem>>) dst(%dma_wait3A_359 : memref<128x128xf32, #tpu.memory_space<hbm>>)
      tpu.yield
    }) : () -> ()
    %dma_wait3A_203 = arith.constant 3 : i32
    %dma_wait3A_204 = arith.constant 0 : i32
    %dma_wait3A_205 = arith.constant 0 : i32
    %dma_wait3A_206 = tpu.memref_slice %arg6[%dma_wait3A_203, %dma_wait3A_204, %dma_wait3A_205] : memref<6x128x128xf32, #tpu.memory_space<vmem>> -> memref<1x128x128xf32, #tpu.memory_space<vmem>>
    %dma_wait3A_207 = tpu.memref_squeeze %dma_wait3A_206 : memref<1x128x128xf32, #tpu.memory_space<vmem>> -> memref<128x128xf32, #tpu.memory_space<vmem>>
    %dma_wait3A_208 = arith.constant 0 : i32
    %dma_wait3A_209 = arith.constant 0 : i32
    %dma_wait3A_210 = tpu.memref_slice %arg3[%dma_wait3A_208, %dma_wait3A_209] : memref<1000000x128xf32, #tpu.memory_space<hbm>> -> memref<128x128xf32, #tpu.memory_space<hbm>>
    %dma_wait3A_211 = arith.constant 0 : i32
    %dma_wait3A_212 = arith.constant 0 : i32
    %dma_wait3A_213 = tpu.memref_slice %arg6[%dma_wait3A_203, %dma_wait3A_211, %dma_wait3A_212] : memref<6x128x128xf32, #tpu.memory_space<vmem>> -> memref<1x128x128xf32, #tpu.memory_space<vmem>>
    %dma_wait3A_214 = tpu.memref_squeeze %dma_wait3A_213 : memref<1x128x128xf32, #tpu.memory_space<vmem>> -> memref<128x128xf32, #tpu.memory_space<vmem>>
    %dma_wait3A_215 = arith.constant 0 : i32
    %dma_wait3A_216 = arith.constant 0 : i32
    %dma_wait3A_217 = tpu.memref_slice %arg3[%dma_wait3A_215, %dma_wait3A_216] : memref<1000000x128xf32, #tpu.memory_space<hbm>> -> memref<128x128xf32, #tpu.memory_space<hbm>>
    tpu.wait_dma2 semaphore(%arg7 : memref<!tpu.dma_semaphore, #tpu.memory_space<semaphore_mem>>) src(%dma_wait3A_217 : memref<128x128xf32, #tpu.memory_space<hbm>>) dst(%dma_wait3A_214 : memref<128x128xf32, #tpu.memory_space<vmem>>)
    %add3A_218 = arith.constant 24960 : i32
    %add3A_219 = arith.addi %mul3A_2, %add3A_218 : i32
    %jit3A_220 = arith.constant 4096 : i32
    %div3A_221 = arith.divsi %add3A_219, %jit3A_220 : i32
    %sign3A_222 = arith.constant 0 : i32
    %sign3A_223 = arith.cmpi sgt, %add3A_219, %sign3A_222 : i32
    %sign3A_224 = arith.extui %sign3A_223 : i1 to i32
    %sign3A_225 = arith.constant 0 : i32
    %sign3A_226 = arith.cmpi slt, %add3A_219, %sign3A_225 : i32
    %sign3A_227 = arith.extui %sign3A_226 : i1 to i32
    %sign3A_228 = arith.subi %sign3A_224, %sign3A_227 : i32
    %sign3A_229 = arith.constant 0 : i32
    %sign3A_230 = arith.cmpi sgt, %jit3A_220, %sign3A_229 : i32
    %sign3A_231 = arith.extui %sign3A_230 : i1 to i32
    %sign3A_232 = arith.constant 0 : i32
    %sign3A_233 = arith.cmpi slt, %jit3A_220, %sign3A_232 : i32
    %sign3A_234 = arith.extui %sign3A_233 : i1 to i32
    %sign3A_235 = arith.subi %sign3A_231, %sign3A_234 : i32
    %ne3A_236 = arith.cmpi ne, %sign3A_228, %sign3A_235 : i32
    %rem3A_237 = arith.remsi %add3A_219, %jit3A_220 : i32
    %ne3A_238 = arith.constant 0 : i32
    %ne3A_239 = arith.cmpi ne, %rem3A_237, %ne3A_238 : i32
    %and3A_240 = arith.andi %ne3A_236, %ne3A_239 : i1
    %sub3A_241 = arith.constant 1 : i32
    %sub3A_242 = arith.subi %div3A_221, %sub3A_241 : i32
    %select_n3A_243 = arith.select %and3A_240, %sub3A_242, %div3A_221 : i32
    %rem3A_244 = arith.constant 4096 : i32
    %rem3A_245 = arith.remsi %add3A_219, %rem3A_244 : i32
    %run_scoped3A_246 = arith.constant 3 : i32
    "tpu.region"() ({
      %run_scoped3A_335 = tpu.sem_alloc : memref<!tpu.dma_semaphore, #tpu.memory_space<semaphore_mem>>
      %dma_start3A_336 = arith.constant 0 : i32
      %dma_start3A_337 = arith.constant 0 : i32
      %dma_start3A_338 = tpu.memref_slice %arg6[%run_scoped3A_246, %dma_start3A_336, %dma_start3A_337] : memref<6x128x128xf32, #tpu.memory_space<vmem>> -> memref<1x128x128xf32, #tpu.memory_space<vmem>>
      %dma_start3A_339 = tpu.memref_squeeze %dma_start3A_338 : memref<1x128x128xf32, #tpu.memory_space<vmem>> -> memref<128x128xf32, #tpu.memory_space<vmem>>
      %dma_start3A_340 = arith.constant 0 : i32
      %dma_start3A_341 = tpu.memref_slice %arg4[%select_n3A_243, %rem3A_245, %dma_start3A_340] : memref<200x4096x128xf32, #tpu.memory_space<hbm>> -> memref<1x128x128xf32, #tpu.memory_space<hbm>>
      %dma_start3A_342 = tpu.memref_squeeze %dma_start3A_341 : memref<1x128x128xf32, #tpu.memory_space<hbm>> -> memref<128x128xf32, #tpu.memory_space<hbm>>
      %dma_start3A_343 = arith.constant 0 : i32
      %dma_start3A_344 = tpu.memref_slice %arg4[%select_n3A_243, %rem3A_245, %dma_start3A_343] : memref<200x4096x128xf32, #tpu.memory_space<hbm>> -> memref<1x128x128xf32, #tpu.memory_space<hbm>>
      %dma_start3A_345 = tpu.memref_squeeze %dma_start3A_344 : memref<1x128x128xf32, #tpu.memory_space<hbm>> -> memref<128x128xf32, #tpu.memory_space<hbm>>
      %dma_start3A_346 = arith.constant 0 : i32
      %dma_start3A_347 = arith.constant 0 : i32
      %dma_start3A_348 = tpu.memref_slice %arg6[%run_scoped3A_246, %dma_start3A_346, %dma_start3A_347] : memref<6x128x128xf32, #tpu.memory_space<vmem>> -> memref<1x128x128xf32, #tpu.memory_space<vmem>>
      %dma_start3A_349 = tpu.memref_squeeze %dma_start3A_348 : memref<1x128x128xf32, #tpu.memory_space<vmem>> -> memref<128x128xf32, #tpu.memory_space<vmem>>
      tpu.enqueue_dma source(%dma_start3A_349 : memref<128x128xf32, #tpu.memory_space<vmem>>) target(%dma_start3A_345 : memref<128x128xf32, #tpu.memory_space<hbm>>) target_semaphore(%run_scoped3A_335 : memref<!tpu.dma_semaphore, #tpu.memory_space<semaphore_mem>>)
      %dma_wait3A_350 = arith.constant 0 : i32
      %dma_wait3A_351 = arith.constant 0 : i32
      %dma_wait3A_352 = tpu.memref_slice %arg6[%run_scoped3A_246, %dma_wait3A_350, %dma_wait3A_351] : memref<6x128x128xf32, #tpu.memory_space<vmem>> -> memref<1x128x128xf32, #tpu.memory_space<vmem>>
      %dma_wait3A_353 = tpu.memref_squeeze %dma_wait3A_352 : memref<1x128x128xf32, #tpu.memory_space<vmem>> -> memref<128x128xf32, #tpu.memory_space<vmem>>
      %dma_wait3A_354 = arith.constant 0 : i32
      %dma_wait3A_355 = tpu.memref_slice %arg4[%select_n3A_243, %rem3A_245, %dma_wait3A_354] : memref<200x4096x128xf32, #tpu.memory_space<hbm>> -> memref<1x128x128xf32, #tpu.memory_space<hbm>>
      %dma_wait3A_356 = tpu.memref_squeeze %dma_wait3A_355 : memref<1x128x128xf32, #tpu.memory_space<hbm>> -> memref<128x128xf32, #tpu.memory_space<hbm>>
      %dma_wait3A_357 = arith.constant 0 : i32
      %dma_wait3A_358 = tpu.memref_slice %arg4[%select_n3A_243, %rem3A_245, %dma_wait3A_357] : memref<200x4096x128xf32, #tpu.memory_space<hbm>> -> memref<1x128x128xf32, #tpu.memory_space<hbm>>
      %dma_wait3A_359 = tpu.memref_squeeze %dma_wait3A_358 : memref<1x128x128xf32, #tpu.memory_space<hbm>> -> memref<128x128xf32, #tpu.memory_space<hbm>>
      %dma_wait3A_360 = arith.constant 0 : i32
      %dma_wait3A_361 = arith.constant 0 : i32
      %dma_wait3A_362 = tpu.memref_slice %arg6[%run_scoped3A_246, %dma_wait3A_360, %dma_wait3A_361] : memref<6x128x128xf32, #tpu.memory_space<vmem>> -> memref<1x128x128xf32, #tpu.memory_space<vmem>>
      %dma_wait3A_363 = tpu.memref_squeeze %dma_wait3A_362 : memref<1x128x128xf32, #tpu.memory_space<vmem>> -> memref<128x128xf32, #tpu.memory_space<vmem>>
      tpu.wait_dma2 semaphore(%run_scoped3A_335 : memref<!tpu.dma_semaphore, #tpu.memory_space<semaphore_mem>>) src(%dma_wait3A_363 : memref<128x128xf32, #tpu.memory_space<vmem>>) dst(%dma_wait3A_359 : memref<128x128xf32, #tpu.memory_space<hbm>>)
      tpu.yield
    }) : () -> ()
    %dma_wait3A_247 = arith.constant 4 : i32
    %dma_wait3A_248 = arith.constant 0 : i32
    %dma_wait3A_249 = arith.constant 0 : i32
    %dma_wait3A_250 = tpu.memref_slice %arg6[%dma_wait3A_247, %dma_wait3A_248, %dma_wait3A_249] : memref<6x128x128xf32, #tpu.memory_space<vmem>> -> memref<1x128x128xf32, #tpu.memory_space<vmem>>
    %dma_wait3A_251 = tpu.memref_squeeze %dma_wait3A_250 : memref<1x128x128xf32, #tpu.memory_space<vmem>> -> memref<128x128xf32, #tpu.memory_space<vmem>>
    %dma_wait3A_252 = arith.constant 0 : i32
    %dma_wait3A_253 = arith.constant 0 : i32
    %dma_wait3A_254 = tpu.memref_slice %arg3[%dma_wait3A_252, %dma_wait3A_253] : memref<1000000x128xf32, #tpu.memory_space<hbm>> -> memref<128x128xf32, #tpu.memory_space<hbm>>
    %dma_wait3A_255 = arith.constant 0 : i32
    %dma_wait3A_256 = arith.constant 0 : i32
    %dma_wait3A_257 = tpu.memref_slice %arg6[%dma_wait3A_247, %dma_wait3A_255, %dma_wait3A_256] : memref<6x128x128xf32, #tpu.memory_space<vmem>> -> memref<1x128x128xf32, #tpu.memory_space<vmem>>
    %dma_wait3A_258 = tpu.memref_squeeze %dma_wait3A_257 : memref<1x128x128xf32, #tpu.memory_space<vmem>> -> memref<128x128xf32, #tpu.memory_space<vmem>>
    %dma_wait3A_259 = arith.constant 0 : i32
    %dma_wait3A_260 = arith.constant 0 : i32
    %dma_wait3A_261 = tpu.memref_slice %arg3[%dma_wait3A_259, %dma_wait3A_260] : memref<1000000x128xf32, #tpu.memory_space<hbm>> -> memref<128x128xf32, #tpu.memory_space<hbm>>
    tpu.wait_dma2 semaphore(%arg7 : memref<!tpu.dma_semaphore, #tpu.memory_space<semaphore_mem>>) src(%dma_wait3A_261 : memref<128x128xf32, #tpu.memory_space<hbm>>) dst(%dma_wait3A_258 : memref<128x128xf32, #tpu.memory_space<vmem>>)
    %add3A_262 = arith.constant 25088 : i32
    %add3A_263 = arith.addi %mul3A_2, %add3A_262 : i32
    %jit3A_264 = arith.constant 4096 : i32
    %div3A_265 = arith.divsi %add3A_263, %jit3A_264 : i32
    %sign3A_266 = arith.constant 0 : i32
    %sign3A_267 = arith.cmpi sgt, %add3A_263, %sign3A_266 : i32
    %sign3A_268 = arith.extui %sign3A_267 : i1 to i32
    %sign3A_269 = arith.constant 0 : i32
    %sign3A_270 = arith.cmpi slt, %add3A_263, %sign3A_269 : i32
    %sign3A_271 = arith.extui %sign3A_270 : i1 to i32
    %sign3A_272 = arith.subi %sign3A_268, %sign3A_271 : i32
    %sign3A_273 = arith.constant 0 : i32
    %sign3A_274 = arith.cmpi sgt, %jit3A_264, %sign3A_273 : i32
    %sign3A_275 = arith.extui %sign3A_274 : i1 to i32
    %sign3A_276 = arith.constant 0 : i32
    %sign3A_277 = arith.cmpi slt, %jit3A_264, %sign3A_276 : i32
    %sign3A_278 = arith.extui %sign3A_277 : i1 to i32
    %sign3A_279 = arith.subi %sign3A_275, %sign3A_278 : i32
    %ne3A_280 = arith.cmpi ne, %sign3A_272, %sign3A_279 : i32
    %rem3A_281 = arith.remsi %add3A_263, %jit3A_264 : i32
    %ne3A_282 = arith.constant 0 : i32
    %ne3A_283 = arith.cmpi ne, %rem3A_281, %ne3A_282 : i32
    %and3A_284 = arith.andi %ne3A_280, %ne3A_283 : i1
    %sub3A_285 = arith.constant 1 : i32
    %sub3A_286 = arith.subi %div3A_265, %sub3A_285 : i32
    %select_n3A_287 = arith.select %and3A_284, %sub3A_286, %div3A_265 : i32
    %rem3A_288 = arith.constant 4096 : i32
    %rem3A_289 = arith.remsi %add3A_263, %rem3A_288 : i32
    %run_scoped3A_290 = arith.constant 4 : i32
    "tpu.region"() ({
      %run_scoped3A_335 = tpu.sem_alloc : memref<!tpu.dma_semaphore, #tpu.memory_space<semaphore_mem>>
      %dma_start3A_336 = arith.constant 0 : i32
      %dma_start3A_337 = arith.constant 0 : i32
      %dma_start3A_338 = tpu.memref_slice %arg6[%run_scoped3A_290, %dma_start3A_336, %dma_start3A_337] : memref<6x128x128xf32, #tpu.memory_space<vmem>> -> memref<1x128x128xf32, #tpu.memory_space<vmem>>
      %dma_start3A_339 = tpu.memref_squeeze %dma_start3A_338 : memref<1x128x128xf32, #tpu.memory_space<vmem>> -> memref<128x128xf32, #tpu.memory_space<vmem>>
      %dma_start3A_340 = arith.constant 0 : i32
      %dma_start3A_341 = tpu.memref_slice %arg4[%select_n3A_287, %rem3A_289, %dma_start3A_340] : memref<200x4096x128xf32, #tpu.memory_space<hbm>> -> memref<1x128x128xf32, #tpu.memory_space<hbm>>
      %dma_start3A_342 = tpu.memref_squeeze %dma_start3A_341 : memref<1x128x128xf32, #tpu.memory_space<hbm>> -> memref<128x128xf32, #tpu.memory_space<hbm>>
      %dma_start3A_343 = arith.constant 0 : i32
      %dma_start3A_344 = tpu.memref_slice %arg4[%select_n3A_287, %rem3A_289, %dma_start3A_343] : memref<200x4096x128xf32, #tpu.memory_space<hbm>> -> memref<1x128x128xf32, #tpu.memory_space<hbm>>
      %dma_start3A_345 = tpu.memref_squeeze %dma_start3A_344 : memref<1x128x128xf32, #tpu.memory_space<hbm>> -> memref<128x128xf32, #tpu.memory_space<hbm>>
      %dma_start3A_346 = arith.constant 0 : i32
      %dma_start3A_347 = arith.constant 0 : i32
      %dma_start3A_348 = tpu.memref_slice %arg6[%run_scoped3A_290, %dma_start3A_346, %dma_start3A_347] : memref<6x128x128xf32, #tpu.memory_space<vmem>> -> memref<1x128x128xf32, #tpu.memory_space<vmem>>
      %dma_start3A_349 = tpu.memref_squeeze %dma_start3A_348 : memref<1x128x128xf32, #tpu.memory_space<vmem>> -> memref<128x128xf32, #tpu.memory_space<vmem>>
      tpu.enqueue_dma source(%dma_start3A_349 : memref<128x128xf32, #tpu.memory_space<vmem>>) target(%dma_start3A_345 : memref<128x128xf32, #tpu.memory_space<hbm>>) target_semaphore(%run_scoped3A_335 : memref<!tpu.dma_semaphore, #tpu.memory_space<semaphore_mem>>)
      %dma_wait3A_350 = arith.constant 0 : i32
      %dma_wait3A_351 = arith.constant 0 : i32
      %dma_wait3A_352 = tpu.memref_slice %arg6[%run_scoped3A_290, %dma_wait3A_350, %dma_wait3A_351] : memref<6x128x128xf32, #tpu.memory_space<vmem>> -> memref<1x128x128xf32, #tpu.memory_space<vmem>>
      %dma_wait3A_353 = tpu.memref_squeeze %dma_wait3A_352 : memref<1x128x128xf32, #tpu.memory_space<vmem>> -> memref<128x128xf32, #tpu.memory_space<vmem>>
      %dma_wait3A_354 = arith.constant 0 : i32
      %dma_wait3A_355 = tpu.memref_slice %arg4[%select_n3A_287, %rem3A_289, %dma_wait3A_354] : memref<200x4096x128xf32, #tpu.memory_space<hbm>> -> memref<1x128x128xf32, #tpu.memory_space<hbm>>
      %dma_wait3A_356 = tpu.memref_squeeze %dma_wait3A_355 : memref<1x128x128xf32, #tpu.memory_space<hbm>> -> memref<128x128xf32, #tpu.memory_space<hbm>>
      %dma_wait3A_357 = arith.constant 0 : i32
      %dma_wait3A_358 = tpu.memref_slice %arg4[%select_n3A_287, %rem3A_289, %dma_wait3A_357] : memref<200x4096x128xf32, #tpu.memory_space<hbm>> -> memref<1x128x128xf32, #tpu.memory_space<hbm>>
      %dma_wait3A_359 = tpu.memref_squeeze %dma_wait3A_358 : memref<1x128x128xf32, #tpu.memory_space<hbm>> -> memref<128x128xf32, #tpu.memory_space<hbm>>
      %dma_wait3A_360 = arith.constant 0 : i32
      %dma_wait3A_361 = arith.constant 0 : i32
      %dma_wait3A_362 = tpu.memref_slice %arg6[%run_scoped3A_290, %dma_wait3A_360, %dma_wait3A_361] : memref<6x128x128xf32, #tpu.memory_space<vmem>> -> memref<1x128x128xf32, #tpu.memory_space<vmem>>
      %dma_wait3A_363 = tpu.memref_squeeze %dma_wait3A_362 : memref<1x128x128xf32, #tpu.memory_space<vmem>> -> memref<128x128xf32, #tpu.memory_space<vmem>>
      tpu.wait_dma2 semaphore(%run_scoped3A_335 : memref<!tpu.dma_semaphore, #tpu.memory_space<semaphore_mem>>) src(%dma_wait3A_363 : memref<128x128xf32, #tpu.memory_space<vmem>>) dst(%dma_wait3A_359 : memref<128x128xf32, #tpu.memory_space<hbm>>)
      tpu.yield
    }) : () -> ()
    %dma_wait3A_291 = arith.constant 5 : i32
    %dma_wait3A_292 = arith.constant 0 : i32
    %dma_wait3A_293 = arith.constant 0 : i32
    %dma_wait3A_294 = tpu.memref_slice %arg6[%dma_wait3A_291, %dma_wait3A_292, %dma_wait3A_293] : memref<6x128x128xf32, #tpu.memory_space<vmem>> -> memref<1x128x128xf32, #tpu.memory_space<vmem>>
    %dma_wait3A_295 = tpu.memref_squeeze %dma_wait3A_294 : memref<1x128x128xf32, #tpu.memory_space<vmem>> -> memref<128x128xf32, #tpu.memory_space<vmem>>
    %dma_wait3A_296 = arith.constant 0 : i32
    %dma_wait3A_297 = arith.constant 0 : i32
    %dma_wait3A_298 = tpu.memref_slice %arg3[%dma_wait3A_296, %dma_wait3A_297] : memref<1000000x128xf32, #tpu.memory_space<hbm>> -> memref<128x128xf32, #tpu.memory_space<hbm>>
    %dma_wait3A_299 = arith.constant 0 : i32
    %dma_wait3A_300 = arith.constant 0 : i32
    %dma_wait3A_301 = tpu.memref_slice %arg6[%dma_wait3A_291, %dma_wait3A_299, %dma_wait3A_300] : memref<6x128x128xf32, #tpu.memory_space<vmem>> -> memref<1x128x128xf32, #tpu.memory_space<vmem>>
    %dma_wait3A_302 = tpu.memref_squeeze %dma_wait3A_301 : memref<1x128x128xf32, #tpu.memory_space<vmem>> -> memref<128x128xf32, #tpu.memory_space<vmem>>
    %dma_wait3A_303 = arith.constant 0 : i32
    %dma_wait3A_304 = arith.constant 0 : i32
    %dma_wait3A_305 = tpu.memref_slice %arg3[%dma_wait3A_303, %dma_wait3A_304] : memref<1000000x128xf32, #tpu.memory_space<hbm>> -> memref<128x128xf32, #tpu.memory_space<hbm>>
    tpu.wait_dma2 semaphore(%arg7 : memref<!tpu.dma_semaphore, #tpu.memory_space<semaphore_mem>>) src(%dma_wait3A_305 : memref<128x128xf32, #tpu.memory_space<hbm>>) dst(%dma_wait3A_302 : memref<128x128xf32, #tpu.memory_space<vmem>>)
    %add3A_306 = arith.constant 25216 : i32
    %add3A_307 = arith.addi %mul3A_2, %add3A_306 : i32
    %jit3A_308 = arith.constant 4096 : i32
    %div3A_309 = arith.divsi %add3A_307, %jit3A_308 : i32
    %sign3A_310 = arith.constant 0 : i32
    %sign3A_311 = arith.cmpi sgt, %add3A_307, %sign3A_310 : i32
    %sign3A_312 = arith.extui %sign3A_311 : i1 to i32
    %sign3A_313 = arith.constant 0 : i32
    %sign3A_314 = arith.cmpi slt, %add3A_307, %sign3A_313 : i32
    %sign3A_315 = arith.extui %sign3A_314 : i1 to i32
    %sign3A_316 = arith.subi %sign3A_312, %sign3A_315 : i32
    %sign3A_317 = arith.constant 0 : i32
    %sign3A_318 = arith.cmpi sgt, %jit3A_308, %sign3A_317 : i32
    %sign3A_319 = arith.extui %sign3A_318 : i1 to i32
    %sign3A_320 = arith.constant 0 : i32
    %sign3A_321 = arith.cmpi slt, %jit3A_308, %sign3A_320 : i32
    %sign3A_322 = arith.extui %sign3A_321 : i1 to i32
    %sign3A_323 = arith.subi %sign3A_319, %sign3A_322 : i32
    %ne3A_324 = arith.cmpi ne, %sign3A_316, %sign3A_323 : i32
    %rem3A_325 = arith.remsi %add3A_307, %jit3A_308 : i32
    %ne3A_326 = arith.constant 0 : i32
    %ne3A_327 = arith.cmpi ne, %rem3A_325, %ne3A_326 : i32
    %and3A_328 = arith.andi %ne3A_324, %ne3A_327 : i1
    %sub3A_329 = arith.constant 1 : i32
    %sub3A_330 = arith.subi %div3A_309, %sub3A_329 : i32
    %select_n3A_331 = arith.select %and3A_328, %sub3A_330, %div3A_309 : i32
    %rem3A_332 = arith.constant 4096 : i32
    %rem3A_333 = arith.remsi %add3A_307, %rem3A_332 : i32
    %run_scoped3A_334 = arith.constant 5 : i32
    "tpu.region"() ({
      %run_scoped3A_335 = tpu.sem_alloc : memref<!tpu.dma_semaphore, #tpu.memory_space<semaphore_mem>>
      %dma_start3A_336 = arith.constant 0 : i32
      %dma_start3A_337 = arith.constant 0 : i32
      %dma_start3A_338 = tpu.memref_slice %arg6[%run_scoped3A_334, %dma_start3A_336, %dma_start3A_337] : memref<6x128x128xf32, #tpu.memory_space<vmem>> -> memref<1x128x128xf32, #tpu.memory_space<vmem>>
      %dma_start3A_339 = tpu.memref_squeeze %dma_start3A_338 : memref<1x128x128xf32, #tpu.memory_space<vmem>> -> memref<128x128xf32, #tpu.memory_space<vmem>>
      %dma_start3A_340 = arith.constant 0 : i32
      %dma_start3A_341 = tpu.memref_slice %arg4[%select_n3A_331, %rem3A_333, %dma_start3A_340] : memref<200x4096x128xf32, #tpu.memory_space<hbm>> -> memref<1x128x128xf32, #tpu.memory_space<hbm>>
      %dma_start3A_342 = tpu.memref_squeeze %dma_start3A_341 : memref<1x128x128xf32, #tpu.memory_space<hbm>> -> memref<128x128xf32, #tpu.memory_space<hbm>>
      %dma_start3A_343 = arith.constant 0 : i32
      %dma_start3A_344 = tpu.memref_slice %arg4[%select_n3A_331, %rem3A_333, %dma_start3A_343] : memref<200x4096x128xf32, #tpu.memory_space<hbm>> -> memref<1x128x128xf32, #tpu.memory_space<hbm>>
      %dma_start3A_345 = tpu.memref_squeeze %dma_start3A_344 : memref<1x128x128xf32, #tpu.memory_space<hbm>> -> memref<128x128xf32, #tpu.memory_space<hbm>>
      %dma_start3A_346 = arith.constant 0 : i32
      %dma_start3A_347 = arith.constant 0 : i32
      %dma_start3A_348 = tpu.memref_slice %arg6[%run_scoped3A_334, %dma_start3A_346, %dma_start3A_347] : memref<6x128x128xf32, #tpu.memory_space<vmem>> -> memref<1x128x128xf32, #tpu.memory_space<vmem>>
      %dma_start3A_349 = tpu.memref_squeeze %dma_start3A_348 : memref<1x128x128xf32, #tpu.memory_space<vmem>> -> memref<128x128xf32, #tpu.memory_space<vmem>>
      tpu.enqueue_dma source(%dma_start3A_349 : memref<128x128xf32, #tpu.memory_space<vmem>>) target(%dma_start3A_345 : memref<128x128xf32, #tpu.memory_space<hbm>>) target_semaphore(%run_scoped3A_335 : memref<!tpu.dma_semaphore, #tpu.memory_space<semaphore_mem>>)
      %dma_wait3A_350 = arith.constant 0 : i32
      %dma_wait3A_351 = arith.constant 0 : i32
      %dma_wait3A_352 = tpu.memref_slice %arg6[%run_scoped3A_334, %dma_wait3A_350, %dma_wait3A_351] : memref<6x128x128xf32, #tpu.memory_space<vmem>> -> memref<1x128x128xf32, #tpu.memory_space<vmem>>
      %dma_wait3A_353 = tpu.memref_squeeze %dma_wait3A_352 : memref<1x128x128xf32, #tpu.memory_space<vmem>> -> memref<128x128xf32, #tpu.memory_space<vmem>>
      %dma_wait3A_354 = arith.constant 0 : i32
      %dma_wait3A_355 = tpu.memref_slice %arg4[%select_n3A_331, %rem3A_333, %dma_wait3A_354] : memref<200x4096x128xf32, #tpu.memory_space<hbm>> -> memref<1x128x128xf32, #tpu.memory_space<hbm>>
      %dma_wait3A_356 = tpu.memref_squeeze %dma_wait3A_355 : memref<1x128x128xf32, #tpu.memory_space<hbm>> -> memref<128x128xf32, #tpu.memory_space<hbm>>
      %dma_wait3A_357 = arith.constant 0 : i32
      %dma_wait3A_358 = tpu.memref_slice %arg4[%select_n3A_331, %rem3A_333, %dma_wait3A_357] : memref<200x4096x128xf32, #tpu.memory_space<hbm>> -> memref<1x128x128xf32, #tpu.memory_space<hbm>>
      %dma_wait3A_359 = tpu.memref_squeeze %dma_wait3A_358 : memref<1x128x128xf32, #tpu.memory_space<hbm>> -> memref<128x128xf32, #tpu.memory_space<hbm>>
      %dma_wait3A_360 = arith.constant 0 : i32
      %dma_wait3A_361 = arith.constant 0 : i32
      %dma_wait3A_362 = tpu.memref_slice %arg6[%run_scoped3A_334, %dma_wait3A_360, %dma_wait3A_361] : memref<6x128x128xf32, #tpu.memory_space<vmem>> -> memref<1x128x128xf32, #tpu.memory_space<vmem>>
      %dma_wait3A_363 = tpu.memref_squeeze %dma_wait3A_362 : memref<1x128x128xf32, #tpu.memory_space<vmem>> -> memref<128x128xf32, #tpu.memory_space<vmem>>
      tpu.wait_dma2 semaphore(%run_scoped3A_335 : memref<!tpu.dma_semaphore, #tpu.memory_space<semaphore_mem>>) src(%dma_wait3A_363 : memref<128x128xf32, #tpu.memory_space<vmem>>) dst(%dma_wait3A_359 : memref<128x128xf32, #tpu.memory_space<hbm>>)
      tpu.yield
    }) : () -> ()
    return
  }
}

module attributes {stable_mosaic.version = 14 : i64} {
  func.func @_tc_widen_body(%arg0: i32, %arg1: memref<64x8192xf32, #tpu.memory_space<vmem>>, %arg2: memref<8192x128xf32, #tpu.memory_space<vmem>>) attributes {dimension_semantics = [#tpu.dimension_semantics<arbitrary>], iteration_bounds = array<i64: 123>, scalar_prefetch = 0 : i64, scratch_operands = 0 : i64, tpu.core_type = #tpu.core_type<tc>, window_params = [{transform_indices = @transform_0, window_bounds = array<i64: 64, 8192>}, {transform_indices = @transform_1, window_bounds = array<i64: 8192, 128>}]} {
    %get3A = arith.constant 0 : index
    %get3A_0 = arith.constant 0 : index
    %get3A_1 = vector.load %arg1[%get3A, %get3A_0] : memref<64x8192xf32, #tpu.memory_space<vmem>>, vector<64x8192xf32>
    %transpose3A = tpu.transpose %get3A_1, [1, 0] : vector<64x8192xf32> -> vector<8192x64xf32>
    %swap3A = arith.constant 0 : index
    %swap3A_2 = arith.constant 0 : index
    %swap3A_3 = vector.load %arg2[%swap3A, %swap3A_2] : memref<8192x128xf32, #tpu.memory_space<vmem>>, vector<8192x64xf32>
    tpu.vector_store %arg2[%swap3A, %swap3A_2], %transpose3A {strides = array<i32>} : memref<8192x128xf32, #tpu.memory_space<vmem>>, vector<8192x64xf32>,
    return
  }
  func.func @transform_0(%arg0: i32) -> (i32, i32) {
    %c0_i32 = arith.constant 0 : i32
    %c0_i32_0 = arith.constant 0 : i32
    return %c0_i32, %arg0 : i32, i32
  }
  func.func @transform_1(%arg0: i32) -> (i32, i32) {
    %c0_i32 = arith.constant 0 : i32
    %c0_i32_0 = arith.constant 0 : i32
    return %arg0, %c0_i32 : i32, i32
  }
}

</mosaic_0001>

<sc_bundles>
// kernel: kernel.4.cloned.1.call-start
scs
__scs_entry_jumppad:
0x0: {  	(pc) =	sbr.rel $0x88, $3  }
0x1: {  	(tag) =	ssettag $0x0;
	lr =	simm.s32 $0x1  }
0x2: {  	[smem:$0x3F9F] =	sst lr;
	_ =	strace $0xD0000000  }
0x3: {  	_ = 	snop  }
0x4: {  	_ = 	snop  }
0x5: {  	_ = 	snop  }
0x6: {  	_ = 	snop  }
0x7: {  	_ = 	snop  }
__scs_overlays_trampoline_lowered:
0x8: {  	[smem:$0x3FAE] =	sst s0  }
0x9: {  	[smem:$0x3FAF] =	sst s1  }
0xa: {  	[smem:$0x3FB0] =	sst s2  }
0xb: {  	[smem:$0x3FB1] =	sst s3  }
0xc: {  	[smem:$0x3FB2] =	sst s4  }
0xd: {  	[smem:$0x3FB3] =	sst s5  }
0xe: {  	[smem:$0x3FB4] =	sst s6  }
0xf: {  	[smem:$0x3FB5] =	sst s7  }
0x10: {  	[smem:$0x3FB6] =	sst s8  }
0x11: {  	[smem:$0x3FB7] =	sst s9;
	s0 =	simm.s32 @!p0 $0x0  }
0x12: {  	s1 =	sld [smem:$0x3F9D];
	s0 =	simm.s32 @p0 $0x1  }
0x13: {  	[smem:$0x3FB8] =	sst s0;
	s0 =	simm.s32 @!p1 $0x0  }
0x14: {  	s2 =	sld [smem:$0x3F9C];
	s0 =	simm.s32 @p1 $0x1  }
0x15: {  	[smem:$0x3FB9] =	sst s0;
	s0 =	simm.s32 @!p2 $0x0  }
0x16: {  	s3 =	sld [smem:$0x3FDB];
	s0 =	simm.s32 @p2 $0x1  }
0x17: {  	s4 =	simm.s32 $0x1BF5;
	[smem:$0x3FBB] =	sst s0  }
0x18: {  	s0 =	sld [smem:$0x3F9E];
	_ =	swait.ge [sflag:s4], $0x0  }
0x19: {  	s7 =	sld [smem:$0x3F9F]  }
0x1a: {  	s8 =	sadd.s32 $0xFFFFE003, lr  }
0x1b: {  	s9 =	sadd.s32 $0xFFFFFEF7, lr;
	s5 =	simm.s32 $0xFFFFFFFF;
	p2 =	slt.u32 s8, $0xFFFFF086  }
0x1c: {  	p1 =	slt.u32 s9, $0xF7A;
	s5 =	simm.s32 @!p2 $0x0  }
0x1d: {  	s5 =	simm.s32 @p1 $0x1;
	p0 =	seq.s32 s7, s2  }
0x1e: {  	s7 =	smul.u32 @!p0 $0xF7A, s2;
	p2 =	seq.s32 @!p0 s5, $0x0  }
0x1f: {  	s9 =	smul.u32 $0xF7A, s1;
	s8 =	simm.s32 @!p0 $0x1BF5;
	p2 =	por !p2, p0  }
0x20: {  	[sflag:s8] =	ssyncset.s32 @!p0 $0xFFFFF086;
	s6 =	sadd.s32 @!p0 s3, s7;
	s7 =	simm.s32 @!p0 $0x108  }
0x21: {  	s3 =	sadd.s32 s3, s9;
	s6 =	sadd.s32 @!p0 $0x88, s6;
	s7 =	simm.s32 @p2 $0x1082  }
0x22: {  	[simem:s7], [sflag:s8] =	dma.local @!p0 [hbm:s6], $0xF7A  }
0x23: {  	s9 =	sor.u32 $0xD0000000, s2;
	s6 =	simm.s32 $0x108;
	_ =	swait.ge @!p0 [sflag:s8], $0x0  }
0x24: {  	s3 =	sadd.s32 $0x88, s3;
	s6 =	simm.s32 @!p1 $0x1082;
	[sflag:s4] =	ssyncset.s32 $0xFFFFF086  }
0x25: {  	[simem:s6], [sflag:s4] =	dma.local [hbm:s3], $0xF7A  }
0x26: {  	[smem:$0x3F9F] =	sst s1;
	(tag) =	ssettag s2;
	_ =	strace s9  }
0x27: {  	s1 =	sld [smem:$0x3FAF]  }
0x28: {  	s2 =	sld [smem:$0x3FB0]  }
0x29: {  	s4 =	sld [smem:$0x3FB2]  }
0x2a: {  	p0 =	seq.s32 s5, $0x0;
	s5 =	sld [smem:$0x3FB3]  }
0x2b: {  	s6 =	sld [smem:$0x3FB4]  }
0x2c: {  	s7 =	sld [smem:$0x3FB5]  }
0x2d: {  	s3 =	simm.s32 $0x108;
	s8 =	sld [smem:$0x3FB6]  }
0x2e: {  	s3 =	simm.s32 @!p0 $0x1082;
	s9 =	sld [smem:$0x3FB7]  }
0x2f: {  	lr =	sadd.s32 s0, s3;
	s0 =	sld [smem:$0x3FAE]  }
0x30: {  	s3 =	sld [smem:$0x3FB1]  }
0x31: {  	[smem:$0x3FBA] =	sst s10  }
0x32: {  	s10 =	sld [smem:$0x3FB8];
	_ =	sdelay $0x3  }
0x33: {  	p0 =	seq.s32 s10, $0x1;
	s10 =	sld [smem:$0x3FBA];
	_ =	sdelay $0x3  }
0x34: {  	[smem:$0x3FBA] =	sst s10  }
0x35: {  	s10 =	sld [smem:$0x3FB9];
	_ =	sdelay $0x3  }
0x36: {  	p1 =	seq.s32 s10, $0x1;
	s10 =	sld [smem:$0x3FBA];
	_ =	sdelay $0x3  }
0x37: {  	[smem:$0x3FBA] =	sst s10  }
0x38: {  	s10 =	sld [smem:$0x3FBB]  }
0x39: {  	_ = 	snop;
	(pc) =	sbr.ind lr, $3  }
0x3a: {  	_ = 	snop  }
0x3b: {  	_ = 	snop  }
0x3c: {  	p2 =	seq.s32 s10, $0x1;
	s10 =	sld [smem:$0x3FBA]  }
0x3d: {  	_ =	shalt  }
0x3e: {  	_ =	shalt  }
0x3f: {  	_ =	shalt  }
0x40: {  	_ =	shalt  }
0x41: {  	_ =	shalt  }
0x42: {  	_ =	shalt  }
0x43: {  	_ =	shalt  }
0x44: {  	_ =	shalt  }
0x45: {  	_ =	shalt  }
0x46: {  	_ =	shalt  }
0x47: {  	_ =	shalt  }
0x48: {  	_ =	shalt  }
0x49: {  	_ =	shalt  }
0x4a: {  	_ =	shalt  }
0x4b: {  	_ =	shalt  }
0x4c: {  	_ =	shalt  }
0x4d: {  	_ =	shalt  }
0x4e: {  	_ =	shalt  }
0x4f: {  	_ =	shalt  }
0x50: {  	_ =	shalt  }
0x51: {  	_ =	shalt  }
0x52: {  	_ =	shalt  }
0x53: {  	_ =	shalt  }
0x54: {  	_ =	shalt  }
0x55: {  	_ =	shalt  }
0x56: {  	_ =	shalt  }
0x57: {  	_ =	shalt  }
0x58: {  	_ =	shalt  }
0x59: {  	_ =	shalt  }
0x5a: {  	_ =	shalt  }
0x5b: {  	_ =	shalt  }
0x5c: {  	_ =	shalt  }
0x5d: {  	_ =	shalt  }
0x5e: {  	_ =	shalt  }
0x5f: {  	_ =	shalt  }
0x60: {  	_ =	shalt  }
0x61: {  	_ =	shalt  }
0x62: {  	_ =	shalt  }
0x63: {  	_ =	shalt  }
0x64: {  	_ =	shalt  }
0x65: {  	_ =	shalt  }
0x66: {  	_ =	shalt  }
0x67: {  	_ =	shalt  }
0x68: {  	_ =	shalt  }
0x69: {  	_ =	shalt  }
0x6a: {  	_ =	shalt  }
0x6b: {  	_ =	shalt  }
0x6c: {  	_ =	shalt  }
0x6d: {  	_ =	shalt  }
0x6e: {  	_ =	shalt  }
0x6f: {  	_ =	shalt  }
0x70: {  	_ =	shalt  }
0x71: {  	_ =	shalt  }
0x72: {  	_ =	shalt  }
0x73: {  	_ =	shalt  }
0x74: {  	_ =	shalt  }
0x75: {  	_ =	shalt  }
0x76: {  	_ =	shalt  }
0x77: {  	_ =	shalt  }
0x78: {  	_ =	shalt  }
0x79: {  	_ =	shalt  }
0x7a: {  	_ =	shalt  }
0x7b: {  	_ =	shalt  }
0x7c: {  	_ =	shalt  }
0x7d: {  	_ =	shalt  }
0x7e: {  	_ =	shalt  }
0x7f: {  	_ =	shalt  }
0x80: {  	_ =	shalt  }
0x81: {  	_ =	shalt  }
0x82: {  	_ =	shalt  }
0x83: {  	_ =	shalt  }
0x84: {  	_ =	shalt  }
0x85: {  	_ =	shalt  }
0x86: {  	_ =	shalt  }
0x87: {  	_ =	shalt  }
.Lfunc_end0:
.L_simem_size_0:
called_computation.1_lowered:
.L_overlay_start_0:
0x88: {  	s2 =	sld [smem:$0x3FD9]  }
0x89: {  	s3 =	sld [smem:$0x3FFE];
	_ =	sdelay $0x1  }
0x8a: {  	s1 =	srdreg.scid  }
0x8b: {  	s0 =	sand.u32 $0x1, s1  }
0x8c: {  	s17 =	sshll.u32 s0, $0xA;
	s2 =	sadd.s32 s3, s2  }
0x8d: {  	s2 =	sadd.s32 s2, s17  }
0x8e: {  	[smem:$0x3FC6] =	sst s2  }
0x8f: {  	_ = 	snop  }
0x90: {  	s2 =	sld [smem:$0x3FD0];
	(tm) =	ssettm $0x1  }
0x91: {  	s18 =	sld [smem:$0x3FFB];
	_ =	sdelay $0x3  }
0x92: {  	_ =	strace s18  }
0x93: {  	s3 =	sld [smem:$0x3FFC];
	_ =	sdelay $0x3  }
0x94: {  	_ =	strace s3  }
0x95: {  	s3 =	sld [smem:$0x3FFD];
	_ =	sdelay $0x3  }
0x96: {  	_ =	strace s3  }
0x97: {  	_ =	strace $0x8FFFFFFF  }
0x98: {  	s19 =	sld [smem:$0x3FDB];
	_ =	sdelay $0x1  }
0x99: {  	s4 =	simm.s32 $_scs_section_size  }
0x9a: {  	s5 =	simm.s32 $_size__tile_overlayer_lowered;
	s6 =	simm.s32 $_tile_overlayer_lowered  }
0x9b: {  	s22 =	simm.s32 $0x1BFF;
	s21 =	sshll.u32 s6, $0x1;
	s3 =	sadd.s32 s4, s19  }
0x9c: {  	s7 =	simm.s32 $0x0;
	s20 =	sshll.u32 s5, $0x1;
	s5 =	sadd.s32 s21, s3  }
0x9d: {  	[timem:s7], [sflag:s22] =	dma.local [hbm:s5], s20  }
0x9e: {  	_ =	swait.ge [sflag:s22], s20  }
0x9f: {  	s4 =	ssub.s32 $0x0, s20;
	[sflag:s22] =	ssyncset.done $0x0  }
0xa0: {  	[sflag:s22] =	ssyncadd.s32 s4;
	_ =	sdelay $0x1  }
0xa1: {  	s23 =	simm.s32 $0x1B8B  }
0xa2: {  	_ =	swait.ge [sflag:s23], $0x1  }
0xa3: {  	[sflag:s23] =	ssyncset.done $0x0  }
0xa4: {  	s25 =	simm.s32 $0x1B8E;
	s24 =	sld [smem:$0x3FFE];
	[sflag:s23] =	ssyncadd.s32 $0xFFFFFFFF  }
0xa5: {  	s26 =	simm.s32 $execute0_lowered;
	[smem:$0x3FD2] =	sst s25  }
0xa6: {  	s5 =	sshll.u32 s26, $0x1;
	_ =	strace $0x80000046;
	[dreg:$0x1] =	wrdreg $0xFFFFFFFF  }
0xa7: {  	s28 =	simm.s32 $_size_execute0_lowered;
	s3 =	sadd.s32 s3, s5;
	[dreg:$0x0] =	wrdreg $0x0  }
0xa8: {  	s5 =	sshll.u32 s28, $0x1;
	[dreg:$0x2] =	wrdreg s3  }
0xa9: {  	[dreg:$0x3] =	wrdreg s5  }
0xaa: {  	[dreg:$0x4] =	wrdreg $0xC0  }
0xab: {  	_ =	task [dreg:s7], $0x5FFFF  }
0xac: {  	[dreg:$0x1] =	wrdreg $0xFFFFFFFF  }
0xad: {  	[dreg:$0x0] =	wrdreg $0x60  }
0xae: {  	[dreg:$0x2] =	wrdreg s2  }
0xaf: {  	[dreg:$0x3] =	wrdreg s24  }
0xb0: {  	[dreg:$0x4] =	wrdreg $0x9  }
0xb1: {  	_ =	task.clear_ibuf [dreg:s7], $0x5FFFF;
	_ =	strace $0x90000046  }
0xb2: {  	s29 =	simm.s32 $0x9;
	_ =	strace $0x80000048  }
0xb3: {  	_ =	swait.ge [sflag:s29], $0x1  }
0xb4: {  	[sflag:s29] =	ssyncadd.s32 $0xFFFFFFFF  }
0xb5: {  	_ =	strace $0x90000048  }
0xb6: {  	_ =	sfence  }
0xb7: {  	s30 =	sld [smem:$0x0];
	_ =	sdelay $0x2  }
0xb8: {  	s31 =	sshll.u32 s1, $0xD;
	s1 =	sshrl.u32 s1, $0x2  }
0xb9: {  	s3 =	sand.u32 $0x4000, s31;
	s1 =	sadd.s32 s1, s30  }
0xba: {  	s0 =	sor.u32 s3, s0;
	s1 =	sshll.u32 s1, $0x11  }
0xbb: {  	s0 =	sor.u32 s1, s0  }
0xbc: {  	s0 =	sadd.s32 $0x8F2B, s0  }
0xbd: {  	[sflag:s0] =	ssyncadd.remote.s32 $0x1  }
0xbe: {  	_ =	sfence.sel $0xFFFF  }
0xbf: {  	[dreg:$0x0] =	wrdreg $0xFFFFFFFF;
	(pc) =	sbr.abs _section_cstart, $3  }
0xc0: {  	[dreg:$0x1] =	wrdreg $0xFFFFFFFF  }
0xc1: {  	_ =	task.clear_ibuf [dreg:s7], $0x2FFFF;
	_ =	strace $0x9FFFFFFF  }
0xc2: {  	(tm) =	ssettm $0x7FFFFFFF  }
0xc3: {  	_ =	shalt  }
tec
execute0_lowered:
.L_overlay_start_1:
0x0: {  	(tag) =	ssettag $0x1  }
0x1: {  	s0 =	rddreg [dreg:$0x0]  }
0x2: {  	s1 =	rddreg [dreg:$0x1];
	s2 =	simm.s32 $0x0;
	s3 =	srdreg.scid  }
0x3: {  	s13 =	stileid.u32;
	s28 =	simm.s32 $0x16400;
	s30 =	simm.s32 $0x1A400  }
0x4: {  	s31 =	simm.s32 $0x1;
	[smem:$0x7FF] =	sst s2;
	s20 =	smul.u32 $0xC800, s13  }
0x5: {  	s4 =	sand.u32 $0x1, s3;
	s18 =	sshll.u32 s13, $0x1;
	s26 =	smul.u32 $0xC8000, s13  }
0x6: {  	s3 =	sadd.s32 $0x800, s1;
	s1 =	sadd.s32 $0xF42C00, s1;
	s21 =	smul.u32 $0x6400, s4  }
0x7: {  	s5 =	sor.u32 s4, s18;
	s6 =	ssub.s32 $0x2, s4;
	s4 =	smul.u32 $0x64000, s4  }
0x8: {  	_ =	strace $0x80000047;
	s18 =	simm.s32 $0x2;
	s7 =	smul.u32 $0x320000, s5  }
0x9: {  	s8 =	sshrl.u32 s6, $0x1;
	s9 =	sshll.u32 s5, $0x11;
	s5 =	smul.u32 $0xC80, s5  }
0xa: {  	s29 =	sadd.s32 s26, s1;
	s9 =	sand.u32 $0x60000, s9;
	s6 =	ssub.s32 s6, s8  }
0xb: {  	s25 =	sadd.s32 s21, s20;
	s17 =	sadd.s32 s4, s29;
	s20 =	simm.s32 $0x6400  }
0xc: {  	s21 =	simm.s32 $0xA400;
	s10 =	sand.u32 $0x7F80000, s7;
	s7 =	sshrl.u32 s7, $0x3  }
0xd: {  	s0 =	sadd.s32 s0, s5;
	s11 =	smax.u32 s6, $0x1;
	s19 =	sor.u32 s9, s10  }
0xe: {  	[dreg:$0x3] =	wrdreg s0;
	s23 =	sadd.s32 s1, s7;
	s8 =	sadd.s32 $0x300000, s19  }
0xf: {  	s24 =	sadd.s32 $0x60800, s23;
	s7 =	sadd.s32 $0x61000, s23;
	s9 =	sadd.s32 $0x62000, s23  }
0x10: {  	s10 =	sadd.s32 $0x62800, s23;
	s22 =	sshrl.u32 s8, $0x3;
	[dreg:$0x5] =	wrdreg s24  }
0x11: {  	s19 =	simm.s32 $0x80;
	[dreg:$0x6] =	wrdreg s7;
	s0 =	sadd.s32 s1, s22  }
0x12: {  	s8 =	sadd.s32 $0x61800, s23;
	[dreg:$0x4] =	wrdreg s0;
	s0 =	sshll.u32 s25, $0x4  }
0x13: {  	s23 =	simm.s32 $0xE400;
	s25 =	simm.s32 $0x12400;
	s0 =	sadd.s32 s0, s1  }
0x14: {  	s12 =	sadd.s32 $0x2800, s0;
	s13 =	sadd.s32 $0x2000, s0;
	s14 =	sadd.s32 $0x1800, s0  }
0x15: {  	s15 =	sadd.s32 $0x1000, s0;
	s16 =	sadd.s32 $0x800, s0;
	s0 =	simm.s32 $0x0  }
.LBB2_1:
0x16: {  	s1 =	rddreg [dreg:$0x3]  }
0x17: {  	[tilespmem:s2], [sflag:$0x2] =	stream.linear.gather [hbm4b:s1+s2], $0x6400, $0x38;
	[tilespmem:$0x1E400] =	vst v63  }
0x18: {  	_ =	swait.ge [sflag:s18], $0x6400  }
0x19: {  	[sflag:s18] =	ssyncset.done $0x0  }
0x1a: {  	[sflag:s18] =	ssyncadd.s32 $0xFFFF9C00  }
0x1b: {  	[tilespmem:s20], [sflag:$0x1] =	stream.indirect.gather [hbm4b:s3+s19], $0x80, s2, s19, $0xb8;
	[tilespmem:$0x1E400] =	vst v63  }
0x1c: {  	_ = 	snop  }
0x1d: {  	[tilespmem:s21], [sflag:$0x1] =	stream.indirect.gather [hbm4b:s3+s19], $0x80, s19, s19, $0xb8;
	[tilespmem:$0x1E400] =	vst v63  }
0x1e: {  	s24 =	simm.s32 $0x100  }
0x1f: {  	[tilespmem:s23], [sflag:$0x1] =	stream.indirect.gather [hbm4b:s3+s19], $0x80, s24, s19, $0xb8;
	[tilespmem:$0x1E400] =	vst v63  }
0x20: {  	s26 =	simm.s32 $0x180  }
0x21: {  	[tilespmem:s25], [sflag:$0x1] =	stream.indirect.gather [hbm4b:s3+s19], $0x80, s26, s19, $0xb8;
	[tilespmem:$0x1E400] =	vst v63  }
0x22: {  	s4 =	simm.s32 $0x200  }
0x23: {  	[tilespmem:s28], [sflag:$0x1] =	stream.indirect.gather [hbm4b:s3+s19], $0x80, s4, s19, $0xb8;
	[tilespmem:$0x1E400] =	vst v63  }
0x24: {  	s5 =	simm.s32 $0x280  }
0x25: {  	[tilespmem:s30], [sflag:$0x1] =	stream.indirect.gather [hbm4b:s3+s19], $0x80, s5, s19, $0xb8;
	[tilespmem:$0x1E400] =	vst v63  }
0x26: {  	_ =	swait.ge [sflag:s31], $0x4000  }
0x27: {  	[sflag:s31] =	ssyncset.done $0x0  }
0x28: {  	[sflag:s31] =	ssyncadd.s32 $0xFFFFC000  }
0x29: {  	[hbm4b:s17+s2] =	stream.linear.scatter [tilespmem:s20], [sflag:$0x2], $0x4000, $0x38;
	[tilespmem:$0x1E400] =	vst v63  }
0x2a: {  	_ =	swait.ge [sflag:s18], $0x4000  }
0x2b: {  	[sflag:s18] =	ssyncset.done $0x0  }
0x2c: {  	s6 =	simm.s32 $0x300;
	[sflag:s18] =	ssyncadd.s32 $0xFFFFC000  }
0x2d: {  	[tilespmem:s20], [sflag:$0x1] =	stream.indirect.gather [hbm4b:s3+s19], $0x80, s6, s19, $0xb8;
	[tilespmem:$0x1E400] =	vst v63  }
0x2e: {  	_ =	swait.ge [sflag:s31], $0x4000  }
0x2f: {  	[sflag:s31] =	ssyncset.done $0x0  }
0x30: {  	[sflag:s31] =	ssyncadd.s32 $0xFFFFC000  }
0x31: {  	[hbm4b:s16+s2] =	stream.linear.scatter [tilespmem:s21], [sflag:$0x2], $0x4000, $0x38;
	[tilespmem:$0x1E400] =	vst v63  }
0x32: {  	_ =	swait.ge [sflag:s18], $0x4000  }
0x33: {  	[sflag:s18] =	ssyncset.done $0x0  }
0x34: {  	s7 =	simm.s32 $0x380;
	[sflag:s18] =	ssyncadd.s32 $0xFFFFC000  }
0x35: {  	[tilespmem:s21], [sflag:$0x1] =	stream.indirect.gather [hbm4b:s3+s19], $0x80, s7, s19, $0xb8;
	[tilespmem:$0x1E400] =	vst v63  }
0x36: {  	_ =	swait.ge [sflag:s31], $0x4000  }
0x37: {  	[sflag:s31] =	ssyncset.done $0x0  }
0x38: {  	[sflag:s31] =	ssyncadd.s32 $0xFFFFC000  }
0x39: {  	[hbm4b:s15+s2] =	stream.linear.scatter [tilespmem:s23], [sflag:$0x2], $0x4000, $0x38;
	[tilespmem:$0x1E400] =	vst v63  }
0x3a: {  	_ =	swait.ge [sflag:s18], $0x4000  }
0x3b: {  	[sflag:s18] =	ssyncset.done $0x0  }
0x3c: {  	s22 =	simm.s32 $0x400;
	[sflag:s18] =	ssyncadd.s32 $0xFFFFC000  }
0x3d: {  	[tilespmem:s23], [sflag:$0x1] =	stream.indirect.gather [hbm4b:s3+s19], $0x80, s22, s19, $0xb8;
	[tilespmem:$0x1E400] =	vst v63  }
0x3e: {  	_ =	swait.ge [sflag:s31], $0x4000  }
0x3f: {  	[sflag:s31] =	ssyncset.done $0x0  }
0x40: {  	[sflag:s31] =	ssyncadd.s32 $0xFFFFC000  }
0x41: {  	[hbm4b:s14+s2] =	stream.linear.scatter [tilespmem:s25], [sflag:$0x2], $0x4000, $0x38;
	[tilespmem:$0x1E400] =	vst v63  }
0x42: {  	_ =	swait.ge [sflag:s18], $0x4000  }
0x43: {  	[sflag:s18] =	ssyncset.done $0x0  }
0x44: {  	s24 =	simm.s32 $0x480;
	[sflag:s18] =	ssyncadd.s32 $0xFFFFC000  }
0x45: {  	[tilespmem:s25], [sflag:$0x1] =	stream.indirect.gather [hbm4b:s3+s19], $0x80, s24, s19, $0xb8;
	[tilespmem:$0x1E400] =	vst v63  }
0x46: {  	_ =	swait.ge [sflag:s31], $0x4000  }
0x47: {  	[sflag:s31] =	ssyncset.done $0x0  }
0x48: {  	[sflag:s31] =	ssyncadd.s32 $0xFFFFC000  }
0x49: {  	[hbm4b:s13+s2] =	stream.linear.scatter [tilespmem:s28], [sflag:$0x2], $0x4000, $0x38;
	[tilespmem:$0x1E400] =	vst v63  }
0x4a: {  	_ =	swait.ge [sflag:s18], $0x4000  }
0x4b: {  	[sflag:s18] =	ssyncset.done $0x0  }
0x4c: {  	s26 =	simm.s32 $0x500;
	[sflag:s18] =	ssyncadd.s32 $0xFFFFC000  }
0x4d: {  	[tilespmem:s28], [sflag:$0x1] =	stream.indirect.gather [hbm4b:s3+s19], $0x80, s26, s19, $0xb8;
	[tilespmem:$0x1E400] =	vst v63  }
0x4e: {  	_ =	swait.ge [sflag:s31], $0x4000  }
0x4f: {  	[sflag:s31] =	ssyncset.done $0x0  }
0x50: {  	s29 =	sadd.s32 $0x3000, s13;
	s1 =	simm.s32 $0xC00;
	[sflag:s31] =	ssyncadd.s32 $0xFFFFC000  }
0x51: {  	[hbm4b:s12+s2] =	stream.linear.scatter [tilespmem:s30], [sflag:$0x2], $0x4000, $0x38;
	[tilespmem:$0x1E400] =	vst v63  }
0x52: {  	s4 =	sadd.s32 $0x3000, s14;
	s5 =	sadd.s32 $0x3000, s12;
	_ =	swait.ge [sflag:s18], $0x4000  }
0x53: {  	s6 =	simm.s32 $0x580;
	s22 =	sadd.s32 $0x3000, s17;
	[sflag:s18] =	ssyncset.done $0x0  }
0x54: {  	s24 =	sadd.s32 $0x3000, s15;
	s26 =	sadd.s32 $0x3000, s16;
	[sflag:s18] =	ssyncadd.s32 $0xFFFFC000  }
.LBB2_2:
0x55: {  	[tilespmem:s30], [sflag:$0x1] =	stream.indirect.gather [hbm4b:s3+s19], $0x80, s6, s19, $0xb8;
	[tilespmem:$0x1E400] =	vst v63  }
0x56: {  	s6 =	smov.u32 s1  }
0x57: {  	p0 =	sne.s32 s1, $0x17400;
	s1 =	sadd.s32 $0xC00, s1;
	_ =	swait.ge [sflag:s31], $0x4000  }
0x58: {  	[sflag:s31] =	ssyncset.done $0x0  }
0x59: {  	[sflag:s31] =	ssyncadd.s32 $0xFFFFC000  }
0x5a: {  	[hbm4b:s22+s2] =	stream.linear.scatter [tilespmem:s20], [sflag:$0x2], $0x4000, $0x38;
	[tilespmem:$0x1E400] =	vst v63  }
0x5b: {  	_ =	swait.ge [sflag:s18], $0x4000  }
0x5c: {  	s6 =	sshra.s32 s6, $0x2;
	[sflag:s18] =	ssyncset.done $0x0  }
0x5d: {  	s7 =	sadd.s32 $0x300, s6;
	[sflag:s18] =	ssyncadd.s32 $0xFFFFC000  }
0x5e: {  	[tilespmem:s20], [sflag:$0x1] =	stream.indirect.gather [hbm4b:s3+s19], $0x80, s7, s19, $0xb8;
	[tilespmem:$0x1E400] =	vst v63  }
0x5f: {  	_ =	swait.ge [sflag:s31], $0x4000  }
0x60: {  	[sflag:s31] =	ssyncset.done $0x0  }
0x61: {  	[sflag:s31] =	ssyncadd.s32 $0xFFFFC000  }
0x62: {  	[hbm4b:s26+s2] =	stream.linear.scatter [tilespmem:s21], [sflag:$0x2], $0x4000, $0x38;
	[tilespmem:$0x1E400] =	vst v63  }
0x63: {  	_ =	swait.ge [sflag:s18], $0x4000  }
0x64: {  	[sflag:s18] =	ssyncset.done $0x0  }
0x65: {  	s7 =	sadd.s32 $0x380, s6;
	[sflag:s18] =	ssyncadd.s32 $0xFFFFC000  }
0x66: {  	[tilespmem:s21], [sflag:$0x1] =	stream.indirect.gather [hbm4b:s3+s19], $0x80, s7, s19, $0xb8;
	[tilespmem:$0x1E400] =	vst v63  }
0x67: {  	_ =	swait.ge [sflag:s31], $0x4000  }
0x68: {  	[sflag:s31] =	ssyncset.done $0x0  }
0x69: {  	[sflag:s31] =	ssyncadd.s32 $0xFFFFC000  }
0x6a: {  	[hbm4b:s24+s2] =	stream.linear.scatter [tilespmem:s23], [sflag:$0x2], $0x4000, $0x38;
	[tilespmem:$0x1E400] =	vst v63  }
0x6b: {  	_ =	swait.ge [sflag:s18], $0x4000  }
0x6c: {  	[sflag:s18] =	ssyncset.done $0x0  }
0x6d: {  	s7 =	sadd.s32 $0x400, s6;
	[sflag:s18] =	ssyncadd.s32 $0xFFFFC000  }
0x6e: {  	[tilespmem:s23], [sflag:$0x1] =	stream.indirect.gather [hbm4b:s3+s19], $0x80, s7, s19, $0xb8;
	[tilespmem:$0x1E400] =	vst v63  }
0x6f: {  	_ =	swait.ge [sflag:s31], $0x4000  }
0x70: {  	[sflag:s31] =	ssyncset.done $0x0  }
0x71: {  	[sflag:s31] =	ssyncadd.s32 $0xFFFFC000  }
0x72: {  	[hbm4b:s4+s2] =	stream.linear.scatter [tilespmem:s25], [sflag:$0x2], $0x4000, $0x38;
	[tilespmem:$0x1E400] =	vst v63  }
0x73: {  	_ =	swait.ge [sflag:s18], $0x4000  }
0x74: {  	[sflag:s18] =	ssyncset.done $0x0  }
0x75: {  	s7 =	sadd.s32 $0x480, s6;
	[sflag:s18] =	ssyncadd.s32 $0xFFFFC000  }
0x76: {  	[tilespmem:s25], [sflag:$0x1] =	stream.indirect.gather [hbm4b:s3+s19], $0x80, s7, s19, $0xb8;
	[tilespmem:$0x1E400] =	vst v63  }
0x77: {  	_ =	swait.ge [sflag:s31], $0x4000  }
0x78: {  	[sflag:s31] =	ssyncset.done $0x0  }
0x79: {  	[sflag:s31] =	ssyncadd.s32 $0xFFFFC000  }
0x7a: {  	[hbm4b:s29+s2] =	stream.linear.scatter [tilespmem:s28], [sflag:$0x2], $0x4000, $0x38;
	[tilespmem:$0x1E400] =	vst v63  }
0x7b: {  	_ =	swait.ge [sflag:s18], $0x4000  }
0x7c: {  	[sflag:s18] =	ssyncset.done $0x0  }
0x7d: {  	s7 =	sadd.s32 $0x500, s6;
	[sflag:s18] =	ssyncadd.s32 $0xFFFFC000  }
0x7e: {  	[tilespmem:s28], [sflag:$0x1] =	stream.indirect.gather [hbm4b:s3+s19], $0x80, s7, s19, $0xb8;
	[tilespmem:$0x1E400] =	vst v63  }
0x7f: {  	_ =	swait.ge [sflag:s31], $0x4000  }
0x80: {  	[sflag:s31] =	ssyncset.done $0x0  }
.Ltmp0:
0x81: {  	s22 =	sadd.s32 $0x3000, s22;
	[sflag:s31] =	ssyncadd.s32 $0xFFFFC000;
	(pc) =	sbr.rel @p0 .LBB2_2-.Ltmp0, $4  }
0x82: {  	[hbm4b:s5+s2] =	stream.linear.scatter [tilespmem:s30], [sflag:$0x2], $0x4000, $0x38;
	[tilespmem:$0x1E400] =	vst v63  }
0x83: {  	s26 =	sadd.s32 $0x3000, s26;
	s24 =	sadd.s32 $0x3000, s24;
	_ =	swait.ge [sflag:s18], $0x4000  }
0x84: {  	s4 =	sadd.s32 $0x3000, s4;
	s29 =	sadd.s32 $0x3000, s29;
	[sflag:s18] =	ssyncset.done $0x0  }
0x85: {  	s6 =	sadd.s32 $0x580, s6;
	s5 =	sadd.s32 $0x3000, s5;
	[sflag:s18] =	ssyncadd.s32 $0xFFFFC000  }
0x86: {  	[tilespmem:s30], [sflag:$0x1] =	stream.indirect.gather [hbm4b:s3+s19], $0x80, s6, s19, $0xb8;
	[tilespmem:$0x1E400] =	vst v63  }
0x87: {  	_ =	swait.ge [sflag:s31], $0x4000  }
0x88: {  	[sflag:s31] =	ssyncset.done $0x0  }
0x89: {  	s1 =	rddreg [dreg:$0x4];
	[sflag:s31] =	ssyncadd.s32 $0xFFFFC000  }
0x8a: {  	[hbm4b:s1+s2] =	stream.linear.scatter [tilespmem:s20], [sflag:$0x2], $0x4000, $0x38;
	[tilespmem:$0x1E400] =	vst v63  }
0x8b: {  	_ =	swait.ge [sflag:s18], $0x4000  }
0x8c: {  	[sflag:s18] =	ssyncset.done $0x0  }
0x8d: {  	[sflag:s18] =	ssyncadd.s32 $0xFFFFC000  }
0x8e: {  	_ =	swait.ge [sflag:s31], $0x4000  }
0x8f: {  	[sflag:s31] =	ssyncset.done $0x0  }
0x90: {  	s26 =	rddreg [dreg:$0x5];
	[sflag:s31] =	ssyncadd.s32 $0xFFFFC000  }
0x91: {  	[hbm4b:s26+s2] =	stream.linear.scatter [tilespmem:s21], [sflag:$0x2], $0x4000, $0x38;
	[tilespmem:$0x1E400] =	vst v63  }
0x92: {  	_ =	swait.ge [sflag:s18], $0x4000  }
0x93: {  	[sflag:s18] =	ssyncset.done $0x0  }
0x94: {  	[sflag:s18] =	ssyncadd.s32 $0xFFFFC000  }
0x95: {  	_ =	swait.ge [sflag:s31], $0x4000  }
0x96: {  	[sflag:s31] =	ssyncset.done $0x0  }
0x97: {  	s29 =	rddreg [dreg:$0x6];
	[sflag:s31] =	ssyncadd.s32 $0xFFFFC000  }
0x98: {  	[hbm4b:s29+s2] =	stream.linear.scatter [tilespmem:s23], [sflag:$0x2], $0x4000, $0x38;
	[tilespmem:$0x1E400] =	vst v63  }
0x99: {  	_ =	swait.ge [sflag:s18], $0x4000  }
0x9a: {  	[sflag:s18] =	ssyncset.done $0x0  }
0x9b: {  	[sflag:s18] =	ssyncadd.s32 $0xFFFFC000  }
0x9c: {  	_ =	swait.ge [sflag:s31], $0x4000  }
0x9d: {  	[sflag:s31] =	ssyncset.done $0x0  }
0x9e: {  	[sflag:s31] =	ssyncadd.s32 $0xFFFFC000  }
0x9f: {  	[hbm4b:s8+s2] =	stream.linear.scatter [tilespmem:s25], [sflag:$0x2], $0x4000, $0x38;
	[tilespmem:$0x1E400] =	vst v63  }
0xa0: {  	_ =	swait.ge [sflag:s18], $0x4000  }
0xa1: {  	[sflag:s18] =	ssyncset.done $0x0  }
0xa2: {  	[sflag:s18] =	ssyncadd.s32 $0xFFFFC000  }
0xa3: {  	_ =	swait.ge [sflag:s31], $0x4000  }
0xa4: {  	[sflag:s31] =	ssyncset.done $0x0  }
0xa5: {  	[sflag:s31] =	ssyncadd.s32 $0xFFFFC000  }
0xa6: {  	[hbm4b:s9+s2] =	stream.linear.scatter [tilespmem:s28], [sflag:$0x2], $0x4000, $0x38;
	[tilespmem:$0x1E400] =	vst v63  }
0xa7: {  	_ =	swait.ge [sflag:s18], $0x4000  }
0xa8: {  	[sflag:s18] =	ssyncset.done $0x0  }
0xa9: {  	[sflag:s18] =	ssyncadd.s32 $0xFFFFC000  }
0xaa: {  	s0 =	sadd.s32 $0x1, s0;
	_ =	swait.ge [sflag:s31], $0x4000  }
0xab: {  	p0 =	sne.s32 s0, s11;
	[sflag:s31] =	ssyncset.done $0x0  }
.Ltmp1:
0xac: {  	[sflag:s31] =	ssyncadd.s32 $0xFFFFC000;
	(pc) =	sbr.rel @p0 .LBB2_1-.Ltmp1, $4  }
0xad: {  	[hbm4b:s10+s2] =	stream.linear.scatter [tilespmem:s30], [sflag:$0x2], $0x4000, $0x38;
	[tilespmem:$0x1E400] =	vst v63  }
0xae: {  	_ =	swait.ge [sflag:s18], $0x4000  }
0xaf: {  	[sflag:s18] =	ssyncset.done $0x0  }
0xb0: {  	[sflag:s18] =	ssyncadd.s32 $0xFFFFC000  }
0xb1: {  	_ =	sfence.sel $0x180000  }
0xb2: {  	[bflag:$0x0] =	sbarrier.arrive $0xFFFF  }
0xb3: {  	_ =	strace $0x90000047  }
0xb4: {  	s0 =	stileid.u32;
	[bflag:$0x2] =	sbarrier.arrive $0xFFFF  }
0xb5: {  	p0 =	sne.s32 s0, $0x0;
	s0 =	rddreg [dreg:$0x2]  }
0xb6: {  	s0 =	sadd.s32 @!p0 $0x100000, s0  }
0xb7: {  	[sflag:s0] =	ssyncadd.tile.s32 @!p0 $0x1;
	_ =	shalt  }
.Lfunc_end2:
_tile_overlayer_lowered:
.L_overlay_start_2:
0xb8: {  	(tag) =	ssettag $0x2  }
0xb9: {  	s0 =	rddreg [dreg:$0x0];
	s2 =	stileid.u32  }
0xba: {  	s1 =	rddreg [dreg:$0x1];
	p0 =	sne.s32 s2, $0x0  }
0xbb: {  	s3 =	rddreg [dreg:$0x2];
	[bflag:$0x3] =	sbarrier.arrive $0xFFFF;
	s2 =	simm.s32 @!p0 $0x1C02  }
0xbc: {  	[timem:s3], [sflag:s2] =	dma.local @!p0 [hbm:s0], s1  }
0xbd: {  	s0 =	simm.s32 @!p0 $0x2  }
0xbe: {  	_ =	swait.ge @!p0 [sflag:s0], s1  }
0xbf: {  	s1 =	ssub.s32 @!p0 $0x0, s1;
	[sflag:s0] =	ssyncset.done @!p0 $0x0  }
0xc0: {  	[sflag:s0] =	ssyncadd.s32 @!p0 s1  }
0xc1: {  	[bflag:$0x3] =	sbarrier.arrive $0xFFFF  }
0xc2: {  	_ =	shalt  }

// kernel: sparse-core-data-format-call.cloned.1.call-start
scs
called_computation_lowered:
.L_overlay_start_0:
0x0: {  	s2 =	sld [smem:$0x3FD9]  }
0x1: {  	s3 =	sld [smem:$0x3FFE];
	_ =	sdelay $0x1  }
0x2: {  	s1 =	srdreg.scid  }
0x3: {  	s0 =	sand.u32 $0x1, s1  }
0x4: {  	s18 =	sshll.u32 s0, $0xA;
	s2 =	sadd.s32 s3, s2  }
0x5: {  	s2 =	sadd.s32 s2, s18  }
0x6: {  	[smem:$0x3FC6] =	sst s2  }
0x7: {  	_ = 	snop  }
0x8: {  	s2 =	sld [smem:$0x3FD0];
	(tm) =	ssettm $0x1  }
0x9: {  	s19 =	sld [smem:$0x3FFB];
	_ =	sdelay $0x3  }
0xa: {  	_ =	strace s19  }
0xb: {  	s3 =	sld [smem:$0x3FFC];
	_ =	sdelay $0x3  }
0xc: {  	_ =	strace s3  }
0xd: {  	s3 =	sld [smem:$0x3FFD];
	_ =	sdelay $0x3  }
0xe: {  	_ =	strace s3  }
0xf: {  	_ =	strace $0x8FFFFFFF  }
0x10: {  	s20 =	sld [smem:$0x3FDB];
	_ =	sdelay $0x1  }
0x11: {  	s4 =	simm.s32 $_scs_section_size  }
0x12: {  	s5 =	simm.s32 $_size__tile_overlayer_lowered;
	s6 =	simm.s32 $_tile_overlayer_lowered  }
0x13: {  	s23 =	simm.s32 $0x1BFF;
	s22 =	sshll.u32 s6, $0x1;
	s3 =	sadd.s32 s4, s20  }
0x14: {  	s7 =	simm.s32 $0x0;
	s21 =	sshll.u32 s5, $0x1;
	s5 =	sadd.s32 s22, s3  }
0x15: {  	[timem:s7], [sflag:s23] =	dma.local [hbm:s5], s21  }
0x16: {  	_ =	swait.ge [sflag:s23], s21  }
0x17: {  	s4 =	ssub.s32 $0x0, s21;
	[sflag:s23] =	ssyncset.done $0x0  }
0x18: {  	[sflag:s23] =	ssyncadd.s32 s4;
	_ =	sdelay $0x1  }
0x19: {  	s24 =	simm.s32 $0x1B8B  }
0x1a: {  	_ =	swait.ge [sflag:s24], $0x1  }
0x1b: {  	[sflag:s24] =	ssyncset.done $0x0  }
0x1c: {  	s26 =	simm.s32 $0x1B8E;
	s25 =	sld [smem:$0x3FFE];
	[sflag:s24] =	ssyncadd.s32 $0xFFFFFFFF  }
0x1d: {  	s27 =	simm.s32 $execute0_lowered;
	[smem:$0x3FD2] =	sst s26  }
0x1e: {  	s5 =	sshll.u32 s27, $0x1;
	_ =	strace $0x80000049;
	[dreg:$0x1] =	wrdreg $0xFFFFFFFF  }
0x1f: {  	s28 =	simm.s32 $_size_execute0_lowered;
	s3 =	sadd.s32 s3, s5;
	[dreg:$0x0] =	wrdreg $0x0  }
0x20: {  	s5 =	sshll.u32 s28, $0x1;
	[dreg:$0x2] =	wrdreg s3  }
0x21: {  	[dreg:$0x3] =	wrdreg s5  }
0x22: {  	[dreg:$0x4] =	wrdreg $0xC0  }
0x23: {  	_ =	task [dreg:s7], $0x5FFFF  }
0x24: {  	[dreg:$0x1] =	wrdreg $0xFFFFFFFF  }
0x25: {  	[dreg:$0x0] =	wrdreg $0x60  }
0x26: {  	[dreg:$0x2] =	wrdreg s25  }
0x27: {  	[dreg:$0x3] =	wrdreg s2  }
0x28: {  	[dreg:$0x4] =	wrdreg $0x9  }
0x29: {  	_ =	task.clear_ibuf [dreg:s7], $0x5FFFF;
	_ =	strace $0x90000049  }
0x2a: {  	s29 =	simm.s32 $0x9;
	_ =	strace $0x8000004B  }
0x2b: {  	_ =	swait.ge [sflag:s29], $0x1  }
0x2c: {  	[sflag:s29] =	ssyncadd.s32 $0xFFFFFFFF  }
0x2d: {  	_ =	strace $0x9000004B  }
0x2e: {  	_ =	sfence  }
0x2f: {  	s30 =	sld [smem:$0x0];
	_ =	sdelay $0x2  }
0x30: {  	s31 =	sshll.u32 s1, $0xD;
	s1 =	sshrl.u32 s1, $0x2  }
0x31: {  	s3 =	sand.u32 $0x4000, s31;
	s1 =	sadd.s32 s1, s30  }
0x32: {  	s0 =	sor.u32 s3, s0;
	s1 =	sshll.u32 s1, $0x11  }
0x33: {  	s0 =	sor.u32 s1, s0  }
0x34: {  	s0 =	sadd.s32 $0x8F2B, s0  }
0x35: {  	[sflag:s0] =	ssyncadd.remote.s32 $0x1  }
0x36: {  	_ =	sfence.sel $0xFFFF  }
0x37: {  	[dreg:$0x0] =	wrdreg $0xFFFFFFFF;
	(pc) =	sbr.abs _section_cstart, $3  }
0x38: {  	[dreg:$0x1] =	wrdreg $0xFFFFFFFF  }
0x39: {  	_ =	task.clear_ibuf [dreg:s7], $0x2FFFF;
	_ =	strace $0x9FFFFFFF  }
0x3a: {  	(tm) =	ssettm $0x7FFFFFFF  }
0x3b: {  	_ =	shalt  }
tec
execute0_lowered:
.L_overlay_start_1:
0x0: {  	(tag) =	ssettag $0x1  }
0x1: {  	s0 =	srdreg.scid  }
0x2: {  	s1 =	sshll.u32 s0, $0x4  }
0x3: {  	s5 =	rddreg [dreg:$0x0];
	s0 =	stileid.u32;
	s1 =	sand.u32 $0x10, s1  }
0x4: {  	s3 =	rddreg [dreg:$0x1];
	s31 =	simm.s32 $0x2;
	s4 =	sor.u32 s0, s1  }
0x5: {  	s13 =	simm.s32 $0x0;
	s9 =	simm.s32 $0x400;
	s2 =	sshll.u32 s4, $0x7  }
0x6: {  	s10 =	simm.s32 $0x8000;
	s14 =	simm.s32 $0x0;
	s6 =	ssub.s32 $0x1000, s2  }
0x7: {  	s1 =	rddreg [dreg:$0x2];
	_ =	strace $0x8000004A;
	s7 =	sand.u32 $0xF80, s6  }
0x8: {  	s4 =	sshll.u32 s4, $0xB;
	p0 =	sne.s32 s7, $0x0;
	s7 =	simm.s32 $0x1  }
.Ltmp0:
0x9: {  	s6 =	sshrl.u32 s6, $0xC;
	s7 =	simm.s32 @!p0 $0x0;
	(pc) =	sbr.rel .LBB1_1-.Ltmp0, $4  }
0xa: {  	s8 =	sadd.s32 s4, s5;
	s4 =	simm.s32 $0x1;
	s30 =	sadd.s32 s7, s6  }
0xb: {  	s11 =	simm.s32 $0x0;
	[sflag:s4] =	ssyncpa.u1 $0x0;
	s5 =	smul.u32 $0x64, s30  }
0xc: {  	s12 =	simm.s32 $0x0;
	[sflag:s31] =	ssyncpa.u1 $0x0;
	p0 =	por $0x0, $0x0  }
0xd: {  	s6 =	sadd.s32 $0xF42C00, s8;
	s7 =	sadd.s32 $0xF52C00, s8;
	s8 =	sor.u32 $0x1, s5  }
.LBB1_7:
0xe: {  	s15 =	sadd.s32 $0x2, s11  }
0xf: {  	p2 =	sgt.s32 s15, $0xC7  }
0x10: {  	s15 =	simm.s32 @p2 $0x0;
	p2 =	sne.s32 s12, s8  }
.Ltmp1:
0x11: {  	p1 =	slt.u32 s12, $0x2;
	(pc) =	sbr.rel @!p2 .LBB1_8-.Ltmp1, $4  }
0x12: {  	s13 =	simm.s32 @!p1 $0x2  }
0x13: {  	s16 =	sadd.s32 $0x1, s12;
	s14 =	smov.u32 s11;
	_ =	swait.ge @!p1 [sflag:s13], $0x4000  }
0x14: {  	p0 =	por !p0, !p0;
	s12 =	smov.u32 s16;
	[sflag:s13] =	ssyncset.done @!p1 $0x0  }
0x15: {  	s11 =	smov.u32 s15;
	[sflag:s13] =	ssyncadd.s32 @!p1 $0xFFFFC000;
	s13 =	smov.u32 s2  }
.LBB1_1:
0x16: {  	p1 =	sge.u32 s12, s5  }
0x17: {  	s15 =	sxor.u32 @!p1 $0xFFFFFFFF, s12  }
0x18: {  	s16 =	sshll.u32 @!p1 s11, $0x10;
	s18 =	simm.s32 @!p1 $0x40;
	s15 =	sshll.u32 @!p1 s15, $0xE  }
0x19: {  	s19 =	simm.s32 @!p1 $0x80;
	s17 =	sadd.s32 @!p1 s16, s6;
	s15 =	sand.u32 @!p1 $0x4000, s15  }
0x1a: {  	[tilespmem:s15], [sflag:$0x1] =	stream.strided.gather @!p1 [hbm4b:s17+s18], $0x2000, s19, s18, $0x38;
	[tilespmem:$0x10100] =	vst v63  }
0x1b: {  	s31 =	sadd.s32 $0xFFFFFFFF, s12;
	s16 =	sadd.s32 @!p1 s16, s7;
	s15 =	sor.u32 @!p1 $0x2000, s15  }
0x1c: {  	[tilespmem:s15], [sflag:$0x1] =	stream.strided.gather @!p1 [hbm4b:s16+s18], $0x2000, s19, s18, $0x38;
	[tilespmem:$0x10100] =	vst v63  }
0x1d: {  	p1 =	sge.u32 s31, s5  }
.Ltmp2:
0x1e: {  	_ = 	snop;
	(pc) =	sbr.rel @p1 .LBB1_7-.Ltmp2, $1  }
0x1f: {  	_ =	sdelay $0x3  }
0x20: {  	s15 =	simm.s32 $0x1;
	s17 =	sand.u32 $0x1, s12  }
0x21: {  	_ =	swait.ge [sflag:s4], $0x4000;
	s15 =	simm.s32 @!p0 $0x0;
	s17 =	smul.u32 $0x10200, s17  }
0x22: {  	p2 =	por $0x1, $0x1;
	[sflag:s4] =	ssyncset.done $0x0;
	s16 =	smul.u32 $0x10200, s15  }
0x23: {  	s18 =	sshll.u32 s15, $0x10;
	[sflag:s4] =	ssyncadd.s32 $0xFFFFC000;
	s30 =	sshrl.u32 s17, $0x2  }
0x24: {  	s31 =	sshrl.u32 s18, $0x2;
	s18 =	simm.s32 $0x0;
	s16 =	sshrl.u32 s16, $0x2  }
0x25: {  	s15 =	sor.u32 $0x8000, s30;
	s17 =	sadd.s32 $0x20, s31;
	s16 =	sor.u32 $0x8000, s16  }
.LBB1_3:
0x26: {  	s19 =	sshll.u32 s18, $0xD  }
0x27: {  	s19 =	sand.u32 $0x3FFFE000, s19  }
0x28: {  	s21 =	sadd.s32 s19, s17  }
0x29: {  	s31 =	smul.u32 $0x8100, s18;
	v3 =	vld [tilespmem:s21+$0x10]  }
0x2a: {  	v1 =	vld [tilespmem:s21+$0xFFFFFFF0]  }
0x2b: {  	s18 =	sshra.s32 s31, $0x2;
	v0 =	vld [tilespmem:s21+$0x0]  }
0x2c: {  	s18 =	sadd.s32 s18, s16;
	v2 =	vld [tilespmem:s21+$0xFFFFFFE0]  }
0x2d: {  	s19 =	sadd.s32 $0x0, s18  }
0x2e: {  	p1 =	por p2, p2;
	s20 =	simm.s32 $0x4;
	s21 =	sadd.s32 $0x40, s21;
	[tilespmem:s19+$0x1830 ss:$0x81] =	vst.msk $0xffff, v3  }
.LBB1_4:
0x2f: {  	v3 =	vld [tilespmem:s21+$0x10];
	p2 =	sne.s32 s20, $0x1FC;
	[tilespmem:s19+$0x810 ss:$0x81] =	vst.msk $0xffff, v1;
	s22 =	smov.u32 s20;
	s20 =	sadd.s32 $0x4, s20  }
.Ltmp3:
0x30: {  	v1 =	vld [tilespmem:s21+$0xFFFFFFF0];
	[tilespmem:s19+$0x1020 ss:$0x81] =	vst.msk $0xffff, v0;
	(pc) =	sbr.rel @p2 .LBB1_4-.Ltmp3, $4  }
0x31: {  	v0 =	vld [tilespmem:s21+$0x0];
	[tilespmem:s19+$0x0 ss:$0x81] =	vst.msk $0xffff, v2  }
0x32: {  	s19 =	sshra.s32 s22, $0x2;
	v2 =	vld [tilespmem:s21+$0xFFFFFFE0]  }
0x33: {  	s19 =	sadd.s32 s19, s18  }
0x34: {  	s21 =	sadd.s32 $0x40, s21;
	[tilespmem:s19+$0x1830 ss:$0x81] =	vst.msk $0xffff, v3  }
.Ltmp4:
0x35: {  	(pc) =	sbr.rel @p1 .LBB1_3-.Ltmp4, $4  }
0x36: {  	_ = 	snop  }
0x37: {  	[tilespmem:s19+$0x810 ss:$0x81] =	vst.msk $0xffff, v1  }
0x38: {  	[tilespmem:s19+$0x1020 ss:$0x81] =	vst.msk $0xffff, v0  }
0x39: {  	s18 =	simm.s32 $0x1;
	p2 =	por $0x0, $0x0;
	[tilespmem:s19+$0x0 ss:$0x81] =	vst.msk $0xffff, v2  }
.Ltmp5:
0x3a: {  	(pc) =	sbr.rel .LBB1_7-.Ltmp5, $4  }
0x3b: {  	s14 =	sshll.u32 s14, $0xF  }
0x3c: {  	s14 =	sadd.s32 s3, s14  }
0x3d: {  	s13 =	sadd.s32 s13, s14  }
0x3e: {  	[hbm4b:s13+s9] =	stream.strided.scatter [tilespmem:s15], [sflag:$0x2], $0x4000, s10, s9, $0x20;
	[tilespmem:$0x10100] =	vst v63  }
.LBB1_8:
0x3f: {  	_ =	sfence.sel $0x180000  }
0x40: {  	s2 =	simm.s32 $0x1;
	[bflag:$0x0] =	sbarrier.arrive $0xFFFF  }
0x41: {  	s31 =	simm.s32 $0x2;
	[sflag:s2] =	ssyncpa.u1 $0x1  }
0x42: {  	[sflag:s31] =	ssyncpa.u1 $0x1  }
0x43: {  	p0 =	sne.s32 s0, $0x0;
	_ =	strace $0x9000004A  }
0x44: {  	s0 =	sadd.s32 @!p0 $0x100000, s1;
	[bflag:$0x2] =	sbarrier.arrive $0xFFFF  }
0x45: {  	[sflag:s0] =	ssyncadd.tile.s32 @!p0 $0x1;
	_ =	shalt  }
.Lfunc_end1:
_tile_overlayer_lowered:
.L_overlay_start_2:
0x46: {  	(tag) =	ssettag $0x2  }
0x47: {  	s0 =	rddreg [dreg:$0x0];
	s2 =	stileid.u32  }
0x48: {  	s1 =	rddreg [dreg:$0x1];
	p0 =	sne.s32 s2, $0x0  }
0x49: {  	s3 =	rddreg [dreg:$0x2];
	[bflag:$0x3] =	sbarrier.arrive $0xFFFF;
	s2 =	simm.s32 @!p0 $0x1C01  }
0x4a: {  	[timem:s3], [sflag:s2] =	dma.local @!p0 [hbm:s0], s1  }
0x4b: {  	s0 =	simm.s32 @!p0 $0x1  }
0x4c: {  	_ =	swait.ge @!p0 [sflag:s0], s1  }
0x4d: {  	s1 =	ssub.s32 @!p0 $0x0, s1;
	[sflag:s0] =	ssyncset.done @!p0 $0x0  }
0x4e: {  	[sflag:s0] =	ssyncadd.s32 @!p0 s1  }
0x4f: {  	[bflag:$0x3] =	sbarrier.arrive $0xFFFF  }
0x50: {  	_ =	shalt  }

</sc_bundles>
